<compile_context>
chip_gen: v7x
topology: tpu7x:2x2x1
jax: 0.10.2.dev20260603
libtpu: 0.0.44.dev20260713+nightly
codegen_flags: <defaults>
</compile_context>

<pallas_src>
import functools

import jax
import jax.numpy as jnp
from jax import lax
from jax.experimental import pallas as pl
from jax.experimental.pallas import tpu as pltpu
from jax.experimental.pallas import tpu_sc as plsc

N = 10000
E = 320000
D = 128
H = 128
C = 47
CP = 128

NC = 2
NS = 16
NT = NC * NS
EPT = E // NT
K = 80
NCHUNK = EPT // K
NP = 10240
RPT = NP // NS
RB = 128
NB = RPT // RB



def _mm_body(h_ref, w_ref, o_ref):
    o_ref[...] = jnp.dot(h_ref[...], w_ref[...],
                         precision=lax.Precision.HIGHEST,
                         preferred_element_type=jnp.float32)


def _matmul(h, w):
    n, d = h.shape
    m = w.shape[1]
    bn = 512
    return pl.pallas_call(
        _mm_body,
        grid=(pl.cdiv(n, bn),),
        in_specs=[pl.BlockSpec((bn, d), lambda i: (i, 0)),
                  pl.BlockSpec((d, m), lambda i: (0, 0))],
        out_specs=pl.BlockSpec((bn, m), lambda i: (i, 0)),
        out_shape=jax.ShapeDtypeStruct((n, m), jnp.float32),
    )(h, w)


def _combine_body(relu, h_ref, w_ref, b_ref, a0_ref, a1_ref, dp_ref, o_ref):
    deg = jnp.sum(dp_ref[...], axis=0)[:, None]
    inv = 1.0 / jnp.maximum(deg, 1.0)
    o = (jnp.dot(h_ref[...], w_ref[...],
                 precision=lax.Precision.HIGHEST,
                 preferred_element_type=jnp.float32)
         + b_ref[...] + (a0_ref[...] + a1_ref[...]) * inv)
    if relu:
        o = jnp.maximum(o, 0.0)
    o_ref[...] = o


def _combine(h, w, b, a0, a1, dp, relu):
    n, d = h.shape
    m = w.shape[1]
    bn = 512
    return pl.pallas_call(
        functools.partial(_combine_body, relu),
        grid=(pl.cdiv(n, bn),),
        in_specs=[pl.BlockSpec((bn, d), lambda i: (i, 0)),
                  pl.BlockSpec((d, m), lambda i: (0, 0)),
                  pl.BlockSpec((1, m), lambda i: (0, 0)),
                  pl.BlockSpec((bn, m), lambda i: (i, 0)),
                  pl.BlockSpec((bn, m), lambda i: (i, 0)),
                  pl.BlockSpec((NT, bn), lambda i: (0, i))],
        out_specs=pl.BlockSpec((bn, m), lambda i: (i, 0)),
        out_shape=jax.ShapeDtypeStruct((n, m), jnp.float32),
    )(h, w, b, a0, a1, dp)



def _make_sc_agg(w, with_deg):
    mesh = plsc.VectorSubcoreMesh(core_axis_name="c", subcore_axis_name="s")
    out_type = [jax.ShapeDtypeStruct((NC, NP, w), jnp.float32)]
    scratch = [
        pltpu.VMEM_SHARED((NP, w), jnp.float32),
        pltpu.VMEM((2, K), jnp.int32),
        pltpu.VMEM((K, w), jnp.float32),
        pltpu.VMEM((RB, w), jnp.float32),
        pltpu.VMEM((RB,), jnp.int32),
        pltpu.SemaphoreType.DMA,
        pltpu.SemaphoreType.DMA,
    ]
    if with_deg:
        out_type.append(jax.ShapeDtypeStruct((NT, NP), jnp.float32))
        scratch.append(pltpu.VMEM((NP,), jnp.float32))

    @functools.partial(
        pl.kernel, out_type=out_type, mesh=mesh, scratch_types=scratch,
        compiler_params=pltpu.CompilerParams(needs_layout_passes=False))
    def sc_agg(*refs):
        if with_deg:
            (t_hbm, sd_hbm, z_hbm, zdeg_hbm,
             out_acc, out_deg,
             acc_sh, sd_v, rows_v, bounce_v, ix_v, sem, sem2, deg_v) = refs
        else:
            (t_hbm, sd_hbm, z_hbm,
             out_acc,
             acc_sh, sd_v, rows_v, bounce_v, ix_v, sem, sem2) = refs
        cid = lax.axis_index("c")
        sid = lax.axis_index("s")
        wid = sid * NC + cid
        row0 = sid * RPT
        iota = lax.iota(jnp.int32, 16)
        pltpu.sync_copy(z_hbm, bounce_v)
        if with_deg:
            pltpu.sync_copy(zdeg_hbm, deg_v)

        def fill_ix(r):
            for ii in range(RB // 16):
                ix_v[pl.ds(ii * 16, 16)] = iota + (r + ii * 16)

        def zero_chunk(i, carry):
            r = row0 + i * RB
            fill_ix(r)
            pltpu.sync_copy(bounce_v, acc_sh.at[ix_v])
            return carry

        lax.fori_loop(0, NB, zero_chunk, 0)
        plsc.subcore_barrier()
        cbase = wid * NCHUNK
        ones_lane = jnp.ones((16,), jnp.float32)

        def chunk(j, carry):
            pltpu.sync_copy(sd_hbm.at[cbase + j], sd_v)
            hA = pltpu.async_copy(t_hbm.at[sd_v.at[0, pl.ds(0, K // 2)]],
                                  rows_v.at[pl.ds(0, K // 2)], sem)
            hB = pltpu.async_copy(t_hbm.at[sd_v.at[0, pl.ds(K // 2, K // 2)]],
                                  rows_v.at[pl.ds(K // 2, K // 2)], sem2)
            hA.wait()
            hB.wait()
            pltpu.sync_copy(rows_v, acc_sh.at[sd_v.at[1]], add=True)
            if with_deg:
                for ii in range(K // 16):
                    idx = sd_v[1, pl.ds(ii * 16, 16)]
                    plsc.addupdate_scatter(deg_v, [idx], ones_lane)
            return carry

        lax.fori_loop(0, NCHUNK, chunk, 0)
        plsc.subcore_barrier()

        def read_chunk(i, carry):
            r = row0 + i * RB
            fill_ix(r)
            pltpu.async_copy(acc_sh.at[ix_v], bounce_v, sem).wait()
            pltpu.sync_copy(bounce_v,
                            out_acc.at[cid, pl.ds(pl.multiple_of(r, 8), RB)])
            return carry

        lax.fori_loop(0, NB, read_chunk, 0)
        if with_deg:
            pltpu.sync_copy(deg_v, out_deg.at[wid])

    return sc_agg


_sc_agg_deg = _make_sc_agg(H, True)
_sc_agg_h = _make_sc_agg(H, False)


def kernel(x, edge_index, W_self0, W_neigh0, b0, W_self1, W_neigh1, b1,
           W_self2, W_neigh2, b2):
    sd = jnp.stack([edge_index[0].reshape(NT * NCHUNK, K),
                    edge_index[1].reshape(NT * NCHUNK, K)], axis=1)
    zH = jnp.zeros((RB, H), jnp.float32)
    zC = jnp.zeros((RB, CP), jnp.float32)
    zdeg = jnp.zeros((NP,), jnp.float32)

    t0 = _matmul(x, W_neigh0)
    acc0, degp = _sc_agg_deg(t0, sd, zH, zdeg)
    dp = degp[:, :N]
    h1 = _combine(x, W_self0, b0.reshape(1, H), acc0[0, :N], acc0[1, :N],
                  dp, relu=True)

    t1 = _matmul(h1, W_neigh1)
    acc1 = _sc_agg_h(t1, sd, zH)[0]
    h2 = _combine(h1, W_self1, b1.reshape(1, H), acc1[0, :N], acc1[1, :N],
                  dp, relu=True)

    Wn2 = jnp.pad(W_neigh2, ((0, 0), (0, CP - C)))
    Ws2 = jnp.pad(W_self2, ((0, 0), (0, CP - C)))
    b2p = jnp.pad(b2, (0, CP - C)).reshape(1, CP)
    t2 = _matmul(h2, Wn2)
    acc2 = _sc_agg_h(t2, sd, zC)[0]
    out = _combine(h2, Ws2, b2p, acc2[0, :N], acc2[1, :N], dp, relu=False)
    return out[:, :C]

# --- scband reference (transcript-rebuilt; emitter-appended) ---
"""Pipeline reference for scband-sage-3066606649551 (READ-ONLY COPY).

The authoritative reference and input builder live on the scoring server;
editing this copy changes nothing except your own understanding.
"""

import jax, jax.numpy as jnp
import numpy as np

N = 10000
E = 320000
D = 128
H = 128
C = 47


def setup_inputs(seed: int = 0) -> dict:
    key = jax.random.key(seed)
    ks = jax.random.split(key, 12)
    x = jax.random.normal(ks[0], (N, D), dtype=jnp.float32)
    edge_index = jax.random.randint(ks[1], (2, E), 0, N, dtype=jnp.int32)
    def glorot(k, fan_in, fan_out):
        return jax.random.normal(k, (fan_in, fan_out), dtype=jnp.float32) * (1.0 / np.sqrt(fan_in))
    W_self0 = glorot(ks[2], D, H)
    W_neigh0 = glorot(ks[3], D, H)
    b0 = jnp.zeros((H,), dtype=jnp.float32)
    W_self1 = glorot(ks[4], H, H)
    W_neigh1 = glorot(ks[5], H, H)
    b1 = jnp.zeros((H,), dtype=jnp.float32)
    W_self2 = glorot(ks[6], H, C)
    W_neigh2 = glorot(ks[7], H, C)
    b2 = jnp.zeros((C,), dtype=jnp.float32)
    return {"x": x, "edge_index": edge_index,
            "W_self0": W_self0, "W_neigh0": W_neigh0, "b0": b0,
            "W_self1": W_self1, "W_neigh1": W_neigh1, "b1": b1,
            "W_self2": W_self2, "W_neigh2": W_neigh2, "b2": b2}


def reference(x, edge_index, W_self0, W_neigh0, b0, W_self1, W_neigh1, b1, W_self2, W_neigh2, b2):
    # DGL SAGEConv with 'mean' aggregator, 3 layers, ReLU between layers.
    # Dropout is identity in eval mode. Blocks are modeled as the full graph
    # applied at every layer (full-neighbor inference semantics).
    src = edge_index[0]
    dst = edge_index[1]
    deg = jax.ops.segment_sum(jnp.ones((E,), dtype=jnp.float32), dst, num_segments=N)
    deg = jnp.maximum(deg, 1.0)[:, None]
    params = [(W_self0, W_neigh0, b0), (W_self1, W_neigh1, b1), (W_self2, W_neigh2, b2)]
    h = x
    for l, (Ws, Wn, b) in enumerate(params):
        msgs = jnp.take(h, src, axis=0)                       # gather src features
        agg = jax.ops.segment_sum(msgs, dst, num_segments=N)  # scatter-add to dst
        agg = agg / deg                                       # mean aggregation
        h = h @ Ws + agg @ Wn + b
        if l != len(params) - 1:
            h = jax.nn.relu(h)
    return h

if __name__ == "__main__":
    import jax
    _d = setup_inputs()
    print(jax.jit(kernel)(*tuple(_d.values())))

</pallas_src>

<mosaic_0001>
#map = affine_map<(d0, d1) -> (0, 0)>
#map1 = affine_map<(d0, d1) -> (0, 0, 0)>
module attributes {stable_mosaic.version = 14 : i64} {
  func.func @sc_agg(%arg0: i32, %arg1: i32, %arg2: memref<10000x128xf32, #tpu.memory_space<hbm>>, %arg3: memref<4000x2x80xi32, #tpu.memory_space<hbm>>, %arg4: memref<128x128xf32, #tpu.memory_space<hbm>>, %arg5: memref<2x10240x128xf32, #tpu.memory_space<hbm>>, %arg6: memref<10240x128xf32, #tpu.memory_space<vmem_shared>>, %arg7: memref<2x80xi32, #tpu.memory_space<vmem>>, %arg8: memref<80x128xf32, #tpu.memory_space<vmem>>, %arg9: memref<128x128xf32, #tpu.memory_space<vmem>>, %arg10: memref<128xi32, #tpu.memory_space<vmem>>, %arg11: memref<!tpu.dma_semaphore, #tpu.memory_space<semaphore_mem>>, %arg12: memref<!tpu.dma_semaphore, #tpu.memory_space<semaphore_mem>>) attributes {dimension_semantics = [#tpu.dimension_semantics<core_parallel>, #tpu.dimension_semantics<subcore_parallel>], iteration_bounds = array<i64: 2, 16>, scalar_prefetch = 0 : i64, scratch_operands = 7 : i64, tpu.core_type = #tpu.core_type<sc_vector_subcore>, window_params = [{transform_indices = #map}, {transform_indices = #map1}, {transform_indices = #map}, {transform_indices = #map1}]} {
    %mul3A = arith.constant 2 : i32
    %mul3A_0 = arith.muli %arg1, %mul3A : i32
    %add3A = arith.addi %mul3A_0, %arg0 : i32
    %mul3A_1 = arith.constant 640 : i32
    %mul3A_2 = arith.muli %arg1, %mul3A_1 : i32
    %iota3A = tpu.iota {dimensions = array<i32: 0>} : vector<16xi32>
    "tpu.region"() ({
      %run_scoped3A = tpu.sem_alloc : memref<!tpu.dma_semaphore, #tpu.memory_space<semaphore_mem>>
      tpu.enqueue_dma source(%arg4 : memref<128x128xf32, #tpu.memory_space<hbm>>) target(%arg9 : memref<128x128xf32, #tpu.memory_space<vmem>>) target_semaphore(%run_scoped3A : memref<!tpu.dma_semaphore, #tpu.memory_space<semaphore_mem>>)
      tpu.wait_dma2 semaphore(%run_scoped3A : memref<!tpu.dma_semaphore, #tpu.memory_space<semaphore_mem>>) src(%arg4 : memref<128x128xf32, #tpu.memory_space<hbm>>) dst(%arg9 : memref<128x128xf32, #tpu.memory_space<vmem>>)
      tpu.yield
    }) : () -> ()
    %scan3A = arith.constant 0 : i32
    %scan3A_3 = arith.constant 0 : i32
    %scan3A_4 = arith.constant 5 : i32
    %scan3A_5 = arith.addi %scan3A_3, %scan3A_4 : i32
    %scan3A_6 = arith.constant 1 : i32
    scf.for %scan3A_24 = %scan3A_3 to %scan3A_5 step %scan3A_6  : i32 {
      %mul3A_25 = arith.constant 128 : i32
      %mul3A_26 = arith.muli %scan3A_24, %mul3A_25 : i32
      %add3A_27 = arith.addi %mul3A_2, %mul3A_26 : i32
      %add3A_28 = arith.constant 0 : i32
      %add3A_29 = arith.addi %add3A_27, %add3A_28 : i32
      %add3A_30 = vector.broadcast %add3A_29 : i32 to vector<16xi32>
      %add3A_31 = arith.addi %iota3A, %add3A_30 : vector<16xi32>
      %swap3A = arith.constant 0 : index
      %swap3A_32 = tpu.vector_load %arg10[%swap3A] {strides = array<i32>} : memref<128xi32, #tpu.memory_space<vmem>>, vector<16xi32>,
      tpu.vector_store %arg10[%swap3A], %add3A_31 {strides = array<i32>} : memref<128xi32, #tpu.memory_space<vmem>>, vector<16xi32>,
      %add3A_33 = arith.constant 16 : i32
      %add3A_34 = arith.addi %add3A_27, %add3A_33 : i32
      %add3A_35 = vector.broadcast %add3A_34 : i32 to vector<16xi32>
      %add3A_36 = arith.addi %iota3A, %add3A_35 : vector<16xi32>
      %swap3A_37 = arith.constant 16 : index
      %swap3A_38 = tpu.vector_load %arg10[%swap3A_37] {strides = array<i32>} : memref<128xi32, #tpu.memory_space<vmem>>, vector<16xi32>,
      tpu.vector_store %arg10[%swap3A_37], %add3A_36 {strides = array<i32>} : memref<128xi32, #tpu.memory_space<vmem>>, vector<16xi32>,
      %add3A_39 = arith.constant 32 : i32
      %add3A_40 = arith.addi %add3A_27, %add3A_39 : i32
      %add3A_41 = vector.broadcast %add3A_40 : i32 to vector<16xi32>
      %add3A_42 = arith.addi %iota3A, %add3A_41 : vector<16xi32>
      %swap3A_43 = arith.constant 32 : index
      %swap3A_44 = tpu.vector_load %arg10[%swap3A_43] {strides = array<i32>} : memref<128xi32, #tpu.memory_space<vmem>>, vector<16xi32>,
      tpu.vector_store %arg10[%swap3A_43], %add3A_42 {strides = array<i32>} : memref<128xi32, #tpu.memory_space<vmem>>, vector<16xi32>,
      %add3A_45 = arith.constant 48 : i32
      %add3A_46 = arith.addi %add3A_27, %add3A_45 : i32
      %add3A_47 = vector.broadcast %add3A_46 : i32 to vector<16xi32>
      %add3A_48 = arith.addi %iota3A, %add3A_47 : vector<16xi32>
      %swap3A_49 = arith.constant 48 : index
      %swap3A_50 = tpu.vector_load %arg10[%swap3A_49] {strides = array<i32>} : memref<128xi32, #tpu.memory_space<vmem>>, vector<16xi32>,
      tpu.vector_store %arg10[%swap3A_49], %add3A_48 {strides = array<i32>} : memref<128xi32, #tpu.memory_space<vmem>>, vector<16xi32>,
      %add3A_51 = arith.constant 64 : i32
      %add3A_52 = arith.addi %add3A_27, %add3A_51 : i32
      %add3A_53 = vector.broadcast %add3A_52 : i32 to vector<16xi32>
      %add3A_54 = arith.addi %iota3A, %add3A_53 : vector<16xi32>
      %swap3A_55 = arith.constant 64 : index
      %swap3A_56 = tpu.vector_load %arg10[%swap3A_55] {strides = array<i32>} : memref<128xi32, #tpu.memory_space<vmem>>, vector<16xi32>,
      tpu.vector_store %arg10[%swap3A_55], %add3A_54 {strides = array<i32>} : memref<128xi32, #tpu.memory_space<vmem>>, vector<16xi32>,
      %add3A_57 = arith.constant 80 : i32
      %add3A_58 = arith.addi %add3A_27, %add3A_57 : i32
      %add3A_59 = vector.broadcast %add3A_58 : i32 to vector<16xi32>
      %add3A_60 = arith.addi %iota3A, %add3A_59 : vector<16xi32>
      %swap3A_61 = arith.constant 80 : index
      %swap3A_62 = tpu.vector_load %arg10[%swap3A_61] {strides = array<i32>} : memref<128xi32, #tpu.memory_space<vmem>>, vector<16xi32>,
      tpu.vector_store %arg10[%swap3A_61], %add3A_60 {strides = array<i32>} : memref<128xi32, #tpu.memory_space<vmem>>, vector<16xi32>,
      %add3A_63 = arith.constant 96 : i32
      %add3A_64 = arith.addi %add3A_27, %add3A_63 : i32
      %add3A_65 = vector.broadcast %add3A_64 : i32 to vector<16xi32>
      %add3A_66 = arith.addi %iota3A, %add3A_65 : vector<16xi32>
      %swap3A_67 = arith.constant 96 : index
      %swap3A_68 = tpu.vector_load %arg10[%swap3A_67] {strides = array<i32>} : memref<128xi32, #tpu.memory_space<vmem>>, vector<16xi32>,
      tpu.vector_store %arg10[%swap3A_67], %add3A_66 {strides = array<i32>} : memref<128xi32, #tpu.memory_space<vmem>>, vector<16xi32>,
      %add3A_69 = arith.constant 112 : i32
      %add3A_70 = arith.addi %add3A_27, %add3A_69 : i32
      %add3A_71 = vector.broadcast %add3A_70 : i32 to vector<16xi32>
      %add3A_72 = arith.addi %iota3A, %add3A_71 : vector<16xi32>
      %swap3A_73 = arith.constant 112 : index
      %swap3A_74 = tpu.vector_load %arg10[%swap3A_73] {strides = array<i32>} : memref<128xi32, #tpu.memory_space<vmem>>, vector<16xi32>,
      tpu.vector_store %arg10[%swap3A_73], %add3A_72 {strides = array<i32>} : memref<128xi32, #tpu.memory_space<vmem>>, vector<16xi32>,
      "tpu.region"() ({
        %run_scoped3A = tpu.sem_alloc : memref<!tpu.dma_semaphore, #tpu.memory_space<semaphore_mem>>
        %dma_start3A = arith.constant 0 : i32
        %dma_start3A_75 = arith.constant 0 : i32
        %dma_start3A_76 = tpu.memref_slice %arg6[%dma_start3A, %dma_start3A_75] : memref<10240x128xf32, #tpu.memory_space<vmem_shared>> -> memref<10240x128xf32, #tpu.memory_space<vmem_shared>>
        tpu.enqueue_indirect_dma source(%arg9 : memref<128x128xf32, #tpu.memory_space<vmem>>) target(%dma_start3A_76 : memref<10240x128xf32, #tpu.memory_space<vmem_shared>>) offsets(%arg10 : memref<128xi32, #tpu.memory_space<vmem>>) semaphore(%run_scoped3A : memref<!tpu.dma_semaphore, #tpu.memory_space<semaphore_mem>>)
        %dma_wait3A = arith.constant 0 : i32
        %dma_wait3A_77 = arith.constant 0 : i32
        %dma_wait3A_78 = tpu.memref_slice %arg6[%dma_wait3A, %dma_wait3A_77] : memref<10240x128xf32, #tpu.memory_space<vmem_shared>> -> memref<10240x128xf32, #tpu.memory_space<vmem_shared>>
        tpu.wait_indirect_dma semaphore(%run_scoped3A : memref<!tpu.dma_semaphore, #tpu.memory_space<semaphore_mem>>) src(%arg9 : memref<128x128xf32, #tpu.memory_space<vmem>>) dst(%dma_wait3A_78 : memref<10240x128xf32, #tpu.memory_space<vmem_shared>>)
        tpu.yield
      }) : () -> ()
    }
    %scan3A_7 = arith.constant 5 : i32
    %barrier3A = arith.constant 0 : index
    tpu.barrier barrier_id(%barrier3A)
    %mul3A_8 = arith.constant 125 : i32
    %mul3A_9 = arith.muli %add3A, %mul3A_8 : i32
    %broadcast_in_dim3A = arith.constant 1.000000e+00 : f32
    %broadcast_in_dim3A_10 = vector.broadcast %broadcast_in_dim3A : f32 to vector<16xf32>
    %scan3A_11 = arith.constant 0 : i32
    %scan3A_12 = arith.constant 0 : i32
    %scan3A_13 = arith.constant 125 : i32
    %scan3A_14 = arith.addi %scan3A_12, %scan3A_13 : i32
    %scan3A_15 = arith.constant 1 : i32
    scf.for %scan3A_24 = %scan3A_12 to %scan3A_14 step %scan3A_15  : i32 {
      %add3A_25 = arith.addi %mul3A_9, %scan3A_24 : i32
      "tpu.region"() ({
        %run_scoped3A_64 = tpu.sem_alloc : memref<!tpu.dma_semaphore, #tpu.memory_space<semaphore_mem>>
        %dma_start3A_65 = arith.constant 0 : i32
        %dma_start3A_66 = arith.constant 0 : i32
        %dma_start3A_67 = tpu.memref_slice %arg3[%add3A_25, %dma_start3A_65, %dma_start3A_66] : memref<4000x2x80xi32, #tpu.memory_space<hbm>> -> memref<1x2x80xi32, #tpu.memory_space<hbm>>
        %dma_start3A_68 = tpu.memref_squeeze %dma_start3A_67 : memref<1x2x80xi32, #tpu.memory_space<hbm>> -> memref<2x80xi32, #tpu.memory_space<hbm>>
        %dma_start3A_69 = arith.constant 0 : i32
        %dma_start3A_70 = arith.constant 0 : i32
        %dma_start3A_71 = tpu.memref_slice %arg3[%add3A_25, %dma_start3A_69, %dma_start3A_70] : memref<4000x2x80xi32, #tpu.memory_space<hbm>> -> memref<1x2x80xi32, #tpu.memory_space<hbm>>
        %dma_start3A_72 = tpu.memref_squeeze %dma_start3A_71 : memref<1x2x80xi32, #tpu.memory_space<hbm>> -> memref<2x80xi32, #tpu.memory_space<hbm>>
        tpu.enqueue_dma source(%dma_start3A_72 : memref<2x80xi32, #tpu.memory_space<hbm>>) target(%arg7 : memref<2x80xi32, #tpu.memory_space<vmem>>) target_semaphore(%run_scoped3A_64 : memref<!tpu.dma_semaphore, #tpu.memory_space<semaphore_mem>>)
        %dma_wait3A_73 = arith.constant 0 : i32
        %dma_wait3A_74 = arith.constant 0 : i32
        %dma_wait3A_75 = tpu.memref_slice %arg3[%add3A_25, %dma_wait3A_73, %dma_wait3A_74] : memref<4000x2x80xi32, #tpu.memory_space<hbm>> -> memref<1x2x80xi32, #tpu.memory_space<hbm>>
        %dma_wait3A_76 = tpu.memref_squeeze %dma_wait3A_75 : memref<1x2x80xi32, #tpu.memory_space<hbm>> -> memref<2x80xi32, #tpu.memory_space<hbm>>
        %dma_wait3A_77 = arith.constant 0 : i32
        %dma_wait3A_78 = arith.constant 0 : i32
        %dma_wait3A_79 = tpu.memref_slice %arg3[%add3A_25, %dma_wait3A_77, %dma_wait3A_78] : memref<4000x2x80xi32, #tpu.memory_space<hbm>> -> memref<1x2x80xi32, #tpu.memory_space<hbm>>
        %dma_wait3A_80 = tpu.memref_squeeze %dma_wait3A_79 : memref<1x2x80xi32, #tpu.memory_space<hbm>> -> memref<2x80xi32, #tpu.memory_space<hbm>>
        tpu.wait_dma2 semaphore(%run_scoped3A_64 : memref<!tpu.dma_semaphore, #tpu.memory_space<semaphore_mem>>) src(%dma_wait3A_80 : memref<2x80xi32, #tpu.memory_space<hbm>>) dst(%arg7 : memref<2x80xi32, #tpu.memory_space<vmem>>)
        tpu.yield
      }) : () -> ()
      %dma_start3A = arith.constant 0 : i32
      %dma_start3A_26 = arith.constant 0 : i32
      %dma_start3A_27 = arith.constant 0 : i32
      %dma_start3A_28 = tpu.memref_slice %arg8[%dma_start3A_26, %dma_start3A_27] : memref<80x128xf32, #tpu.memory_space<vmem>> -> memref<40x128xf32, #tpu.memory_space<vmem>>
      %dma_start3A_29 = arith.constant 0 : i32
      %dma_start3A_30 = tpu.memref_slice %arg7[%dma_start3A, %dma_start3A_29] : memref<2x80xi32, #tpu.memory_space<vmem>> -> memref<1x40xi32, #tpu.memory_space<vmem>>
      %dma_start3A_31 = tpu.memref_squeeze %dma_start3A_30 : memref<1x40xi32, #tpu.memory_space<vmem>> -> memref<40xi32, #tpu.memory_space<vmem>>
      %dma_start3A_32 = arith.constant 0 : i32
      %dma_start3A_33 = arith.constant 0 : i32
      %dma_start3A_34 = tpu.memref_slice %arg2[%dma_start3A_32, %dma_start3A_33] : memref<10000x128xf32, #tpu.memory_space<hbm>> -> memref<10000x128xf32, #tpu.memory_space<hbm>>
      tpu.enqueue_indirect_dma source(%dma_start3A_34 : memref<10000x128xf32, #tpu.memory_space<hbm>>) target(%dma_start3A_28 : memref<40x128xf32, #tpu.memory_space<vmem>>) offsets(%dma_start3A_31 : memref<40xi32, #tpu.memory_space<vmem>>) semaphore(%arg11 : memref<!tpu.dma_semaphore, #tpu.memory_space<semaphore_mem>>)
      %dma_start3A_35 = arith.constant 0 : i32
      %dma_start3A_36 = arith.constant 40 : i32
      %dma_start3A_37 = arith.constant 0 : i32
      %dma_start3A_38 = tpu.memref_slice %arg8[%dma_start3A_36, %dma_start3A_37] : memref<80x128xf32, #tpu.memory_space<vmem>> -> memref<40x128xf32, #tpu.memory_space<vmem>>
      %dma_start3A_39 = arith.constant 40 : i32
      %dma_start3A_40 = tpu.memref_slice %arg7[%dma_start3A_35, %dma_start3A_39] : memref<2x80xi32, #tpu.memory_space<vmem>> -> memref<1x40xi32, #tpu.memory_space<vmem>>
      %dma_start3A_41 = tpu.memref_squeeze %dma_start3A_40 : memref<1x40xi32, #tpu.memory_space<vmem>> -> memref<40xi32, #tpu.memory_space<vmem>>
      %dma_start3A_42 = arith.constant 0 : i32
      %dma_start3A_43 = arith.constant 0 : i32
      %dma_start3A_44 = tpu.memref_slice %arg2[%dma_start3A_42, %dma_start3A_43] : memref<10000x128xf32, #tpu.memory_space<hbm>> -> memref<10000x128xf32, #tpu.memory_space<hbm>>
      tpu.enqueue_indirect_dma source(%dma_start3A_44 : memref<10000x128xf32, #tpu.memory_space<hbm>>) target(%dma_start3A_38 : memref<40x128xf32, #tpu.memory_space<vmem>>) offsets(%dma_start3A_41 : memref<40xi32, #tpu.memory_space<vmem>>) semaphore(%arg12 : memref<!tpu.dma_semaphore, #tpu.memory_space<semaphore_mem>>)
      %dma_wait3A = arith.constant 0 : i32
      %dma_wait3A_45 = arith.constant 0 : i32
      %dma_wait3A_46 = arith.constant 0 : i32
      %dma_wait3A_47 = tpu.memref_slice %arg8[%dma_wait3A_45, %dma_wait3A_46] : memref<80x128xf32, #tpu.memory_space<vmem>> -> memref<40x128xf32, #tpu.memory_space<vmem>>
      %dma_wait3A_48 = arith.constant 0 : i32
      %dma_wait3A_49 = tpu.memref_slice %arg7[%dma_wait3A, %dma_wait3A_48] : memref<2x80xi32, #tpu.memory_space<vmem>> -> memref<1x40xi32, #tpu.memory_space<vmem>>
      %dma_wait3A_50 = tpu.memref_squeeze %dma_wait3A_49 : memref<1x40xi32, #tpu.memory_space<vmem>> -> memref<40xi32, #tpu.memory_space<vmem>>
      %dma_wait3A_51 = arith.constant 0 : i32
      %dma_wait3A_52 = arith.constant 0 : i32
      %dma_wait3A_53 = tpu.memref_slice %arg2[%dma_wait3A_51, %dma_wait3A_52] : memref<10000x128xf32, #tpu.memory_space<hbm>> -> memref<10000x128xf32, #tpu.memory_space<hbm>>
      tpu.wait_indirect_dma semaphore(%arg11 : memref<!tpu.dma_semaphore, #tpu.memory_space<semaphore_mem>>) src(%dma_wait3A_53 : memref<10000x128xf32, #tpu.memory_space<hbm>>) dst(%dma_wait3A_47 : memref<40x128xf32, #tpu.memory_space<vmem>>)
      %dma_wait3A_54 = arith.constant 0 : i32
      %dma_wait3A_55 = arith.constant 40 : i32
      %dma_wait3A_56 = arith.constant 0 : i32
      %dma_wait3A_57 = tpu.memref_slice %arg8[%dma_wait3A_55, %dma_wait3A_56] : memref<80x128xf32, #tpu.memory_space<vmem>> -> memref<40x128xf32, #tpu.memory_space<vmem>>
      %dma_wait3A_58 = arith.constant 40 : i32
      %dma_wait3A_59 = tpu.memref_slice %arg7[%dma_wait3A_54, %dma_wait3A_58] : memref<2x80xi32, #tpu.memory_space<vmem>> -> memref<1x40xi32, #tpu.memory_space<vmem>>
      %dma_wait3A_60 = tpu.memref_squeeze %dma_wait3A_59 : memref<1x40xi32, #tpu.memory_space<vmem>> -> memref<40xi32, #tpu.memory_space<vmem>>
      %dma_wait3A_61 = arith.constant 0 : i32
      %dma_wait3A_62 = arith.constant 0 : i32
      %dma_wait3A_63 = tpu.memref_slice %arg2[%dma_wait3A_61, %dma_wait3A_62] : memref<10000x128xf32, #tpu.memory_space<hbm>> -> memref<10000x128xf32, #tpu.memory_space<hbm>>
      tpu.wait_indirect_dma semaphore(%arg12 : memref<!tpu.dma_semaphore, #tpu.memory_space<semaphore_mem>>) src(%dma_wait3A_63 : memref<10000x128xf32, #tpu.memory_space<hbm>>) dst(%dma_wait3A_57 : memref<40x128xf32, #tpu.memory_space<vmem>>)
      %run_scoped3A = arith.constant 1 : i32
      "tpu.region"() ({
        %run_scoped3A_64 = tpu.sem_alloc : memref<!tpu.dma_semaphore, #tpu.memory_space<semaphore_mem>>
        %dma_start3A_65 = arith.constant 0 : i32
        %dma_start3A_66 = tpu.memref_slice %arg7[%run_scoped3A, %dma_start3A_65] : memref<2x80xi32, #tpu.memory_space<vmem>> -> memref<1x80xi32, #tpu.memory_space<vmem>>
        %dma_start3A_67 = tpu.memref_squeeze %dma_start3A_66 : memref<1x80xi32, #tpu.memory_space<vmem>> -> memref<80xi32, #tpu.memory_space<vmem>>
        %dma_start3A_68 = arith.constant 0 : i32
        %dma_start3A_69 = arith.constant 0 : i32
        %dma_start3A_70 = tpu.memref_slice %arg6[%dma_start3A_68, %dma_start3A_69] : memref<10240x128xf32, #tpu.memory_space<vmem_shared>> -> memref<10240x128xf32, #tpu.memory_space<vmem_shared>>
        tpu.enqueue_indirect_dma source(%arg8 : memref<80x128xf32, #tpu.memory_space<vmem>>) target(%dma_start3A_70 : memref<10240x128xf32, #tpu.memory_space<vmem_shared>>) offsets(%dma_start3A_67 : memref<80xi32, #tpu.memory_space<vmem>>) semaphore(%run_scoped3A_64 : memref<!tpu.dma_semaphore, #tpu.memory_space<semaphore_mem>>) {add = true}
        %dma_wait3A_71 = arith.constant 0 : i32
        %dma_wait3A_72 = tpu.memref_slice %arg7[%run_scoped3A, %dma_wait3A_71] : memref<2x80xi32, #tpu.memory_space<vmem>> -> memref<1x80xi32, #tpu.memory_space<vmem>>
        %dma_wait3A_73 = tpu.memref_squeeze %dma_wait3A_72 : memref<1x80xi32, #tpu.memory_space<vmem>> -> memref<80xi32, #tpu.memory_space<vmem>>
        %dma_wait3A_74 = arith.constant 0 : i32
        %dma_wait3A_75 = arith.constant 0 : i32
        %dma_wait3A_76 = tpu.memref_slice %arg6[%dma_wait3A_74, %dma_wait3A_75] : memref<10240x128xf32, #tpu.memory_space<vmem_shared>> -> memref<10240x128xf32, #tpu.memory_space<vmem_shared>>
        tpu.wait_indirect_dma semaphore(%run_scoped3A_64 : memref<!tpu.dma_semaphore, #tpu.memory_space<semaphore_mem>>) src(%arg8 : memref<80x128xf32, #tpu.memory_space<vmem>>) dst(%dma_wait3A_76 : memref<10240x128xf32, #tpu.memory_space<vmem_shared>>)
        tpu.yield
      }) : () -> ()
    }
    %scan3A_16 = arith.constant 125 : i32
    %barrier3A_17 = arith.constant 0 : index
    tpu.barrier barrier_id(%barrier3A_17)
    %scan3A_18 = arith.constant 0 : i32
    %scan3A_19 = arith.constant 0 : i32
    %scan3A_20 = arith.constant 5 : i32
    %scan3A_21 = arith.addi %scan3A_19, %scan3A_20 : i32
    %scan3A_22 = arith.constant 1 : i32
    scf.for %scan3A_24 = %scan3A_19 to %scan3A_21 step %scan3A_22  : i32 {
      %mul3A_25 = arith.constant 128 : i32
      %mul3A_26 = arith.muli %scan3A_24, %mul3A_25 : i32
      %add3A_27 = arith.addi %mul3A_2, %mul3A_26 : i32
      %add3A_28 = arith.constant 0 : i32
      %add3A_29 = arith.addi %add3A_27, %add3A_28 : i32
      %add3A_30 = vector.broadcast %add3A_29 : i32 to vector<16xi32>
      %add3A_31 = arith.addi %iota3A, %add3A_30 : vector<16xi32>
      %swap3A = arith.constant 0 : index
      %swap3A_32 = tpu.vector_load %arg10[%swap3A] {strides = array<i32>} : memref<128xi32, #tpu.memory_space<vmem>>, vector<16xi32>,
      tpu.vector_store %arg10[%swap3A], %add3A_31 {strides = array<i32>} : memref<128xi32, #tpu.memory_space<vmem>>, vector<16xi32>,
      %add3A_33 = arith.constant 16 : i32
      %add3A_34 = arith.addi %add3A_27, %add3A_33 : i32
      %add3A_35 = vector.broadcast %add3A_34 : i32 to vector<16xi32>
      %add3A_36 = arith.addi %iota3A, %add3A_35 : vector<16xi32>
      %swap3A_37 = arith.constant 16 : index
      %swap3A_38 = tpu.vector_load %arg10[%swap3A_37] {strides = array<i32>} : memref<128xi32, #tpu.memory_space<vmem>>, vector<16xi32>,
      tpu.vector_store %arg10[%swap3A_37], %add3A_36 {strides = array<i32>} : memref<128xi32, #tpu.memory_space<vmem>>, vector<16xi32>,
      %add3A_39 = arith.constant 32 : i32
      %add3A_40 = arith.addi %add3A_27, %add3A_39 : i32
      %add3A_41 = vector.broadcast %add3A_40 : i32 to vector<16xi32>
      %add3A_42 = arith.addi %iota3A, %add3A_41 : vector<16xi32>
      %swap3A_43 = arith.constant 32 : index
      %swap3A_44 = tpu.vector_load %arg10[%swap3A_43] {strides = array<i32>} : memref<128xi32, #tpu.memory_space<vmem>>, vector<16xi32>,
      tpu.vector_store %arg10[%swap3A_43], %add3A_42 {strides = array<i32>} : memref<128xi32, #tpu.memory_space<vmem>>, vector<16xi32>,
      %add3A_45 = arith.constant 48 : i32
      %add3A_46 = arith.addi %add3A_27, %add3A_45 : i32
      %add3A_47 = vector.broadcast %add3A_46 : i32 to vector<16xi32>
      %add3A_48 = arith.addi %iota3A, %add3A_47 : vector<16xi32>
      %swap3A_49 = arith.constant 48 : index
      %swap3A_50 = tpu.vector_load %arg10[%swap3A_49] {strides = array<i32>} : memref<128xi32, #tpu.memory_space<vmem>>, vector<16xi32>,
      tpu.vector_store %arg10[%swap3A_49], %add3A_48 {strides = array<i32>} : memref<128xi32, #tpu.memory_space<vmem>>, vector<16xi32>,
      %add3A_51 = arith.constant 64 : i32
      %add3A_52 = arith.addi %add3A_27, %add3A_51 : i32
      %add3A_53 = vector.broadcast %add3A_52 : i32 to vector<16xi32>
      %add3A_54 = arith.addi %iota3A, %add3A_53 : vector<16xi32>
      %swap3A_55 = arith.constant 64 : index
      %swap3A_56 = tpu.vector_load %arg10[%swap3A_55] {strides = array<i32>} : memref<128xi32, #tpu.memory_space<vmem>>, vector<16xi32>,
      tpu.vector_store %arg10[%swap3A_55], %add3A_54 {strides = array<i32>} : memref<128xi32, #tpu.memory_space<vmem>>, vector<16xi32>,
      %add3A_57 = arith.constant 80 : i32
      %add3A_58 = arith.addi %add3A_27, %add3A_57 : i32
      %add3A_59 = vector.broadcast %add3A_58 : i32 to vector<16xi32>
      %add3A_60 = arith.addi %iota3A, %add3A_59 : vector<16xi32>
      %swap3A_61 = arith.constant 80 : index
      %swap3A_62 = tpu.vector_load %arg10[%swap3A_61] {strides = array<i32>} : memref<128xi32, #tpu.memory_space<vmem>>, vector<16xi32>,
      tpu.vector_store %arg10[%swap3A_61], %add3A_60 {strides = array<i32>} : memref<128xi32, #tpu.memory_space<vmem>>, vector<16xi32>,
      %add3A_63 = arith.constant 96 : i32
      %add3A_64 = arith.addi %add3A_27, %add3A_63 : i32
      %add3A_65 = vector.broadcast %add3A_64 : i32 to vector<16xi32>
      %add3A_66 = arith.addi %iota3A, %add3A_65 : vector<16xi32>
      %swap3A_67 = arith.constant 96 : index
      %swap3A_68 = tpu.vector_load %arg10[%swap3A_67] {strides = array<i32>} : memref<128xi32, #tpu.memory_space<vmem>>, vector<16xi32>,
      tpu.vector_store %arg10[%swap3A_67], %add3A_66 {strides = array<i32>} : memref<128xi32, #tpu.memory_space<vmem>>, vector<16xi32>,
      %add3A_69 = arith.constant 112 : i32
      %add3A_70 = arith.addi %add3A_27, %add3A_69 : i32
      %add3A_71 = vector.broadcast %add3A_70 : i32 to vector<16xi32>
      %add3A_72 = arith.addi %iota3A, %add3A_71 : vector<16xi32>
      %swap3A_73 = arith.constant 112 : index
      %swap3A_74 = tpu.vector_load %arg10[%swap3A_73] {strides = array<i32>} : memref<128xi32, #tpu.memory_space<vmem>>, vector<16xi32>,
      tpu.vector_store %arg10[%swap3A_73], %add3A_72 {strides = array<i32>} : memref<128xi32, #tpu.memory_space<vmem>>, vector<16xi32>,
      %dma_start3A = arith.constant 0 : i32
      %dma_start3A_75 = arith.constant 0 : i32
      %dma_start3A_76 = tpu.memref_slice %arg6[%dma_start3A, %dma_start3A_75] : memref<10240x128xf32, #tpu.memory_space<vmem_shared>> -> memref<10240x128xf32, #tpu.memory_space<vmem_shared>>
      tpu.enqueue_indirect_dma source(%dma_start3A_76 : memref<10240x128xf32, #tpu.memory_space<vmem_shared>>) target(%arg9 : memref<128x128xf32, #tpu.memory_space<vmem>>) offsets(%arg10 : memref<128xi32, #tpu.memory_space<vmem>>) semaphore(%arg11 : memref<!tpu.dma_semaphore, #tpu.memory_space<semaphore_mem>>)
      %dma_wait3A = arith.constant 0 : i32
      %dma_wait3A_77 = arith.constant 0 : i32
      %dma_wait3A_78 = tpu.memref_slice %arg6[%dma_wait3A, %dma_wait3A_77] : memref<10240x128xf32, #tpu.memory_space<vmem_shared>> -> memref<10240x128xf32, #tpu.memory_space<vmem_shared>>
      tpu.wait_indirect_dma semaphore(%arg11 : memref<!tpu.dma_semaphore, #tpu.memory_space<semaphore_mem>>) src(%dma_wait3A_78 : memref<10240x128xf32, #tpu.memory_space<vmem_shared>>) dst(%arg9 : memref<128x128xf32, #tpu.memory_space<vmem>>)
      %multiple_of3A = tpu.assume_multiple %add3A_27, 8 : i32
      "tpu.region"() ({
        %run_scoped3A = tpu.sem_alloc : memref<!tpu.dma_semaphore, #tpu.memory_space<semaphore_mem>>
        %dma_start3A_79 = arith.constant 0 : i32
        %dma_start3A_80 = tpu.memref_slice %arg5[%arg0, %multiple_of3A, %dma_start3A_79] : memref<2x10240x128xf32, #tpu.memory_space<hbm>> -> memref<1x128x128xf32, #tpu.memory_space<hbm>>
        %dma_start3A_81 = tpu.memref_squeeze %dma_start3A_80 : memref<1x128x128xf32, #tpu.memory_space<hbm>> -> memref<128x128xf32, #tpu.memory_space<hbm>>
        %dma_start3A_82 = arith.constant 0 : i32
        %dma_start3A_83 = tpu.memref_slice %arg5[%arg0, %multiple_of3A, %dma_start3A_82] : memref<2x10240x128xf32, #tpu.memory_space<hbm>> -> memref<1x128x128xf32, #tpu.memory_space<hbm>>
        %dma_start3A_84 = tpu.memref_squeeze %dma_start3A_83 : memref<1x128x128xf32, #tpu.memory_space<hbm>> -> memref<128x128xf32, #tpu.memory_space<hbm>>
        tpu.enqueue_dma source(%arg9 : memref<128x128xf32, #tpu.memory_space<vmem>>) target(%dma_start3A_84 : memref<128x128xf32, #tpu.memory_space<hbm>>) target_semaphore(%run_scoped3A : memref<!tpu.dma_semaphore, #tpu.memory_space<semaphore_mem>>)
        %dma_wait3A_85 = arith.constant 0 : i32
        %dma_wait3A_86 = tpu.memref_slice %arg5[%arg0, %multiple_of3A, %dma_wait3A_85] : memref<2x10240x128xf32, #tpu.memory_space<hbm>> -> memref<1x128x128xf32, #tpu.memory_space<hbm>>
        %dma_wait3A_87 = tpu.memref_squeeze %dma_wait3A_86 : memref<1x128x128xf32, #tpu.memory_space<hbm>> -> memref<128x128xf32, #tpu.memory_space<hbm>>
        %dma_wait3A_88 = arith.constant 0 : i32
        %dma_wait3A_89 = tpu.memref_slice %arg5[%arg0, %multiple_of3A, %dma_wait3A_88] : memref<2x10240x128xf32, #tpu.memory_space<hbm>> -> memref<1x128x128xf32, #tpu.memory_space<hbm>>
        %dma_wait3A_90 = tpu.memref_squeeze %dma_wait3A_89 : memref<1x128x128xf32, #tpu.memory_space<hbm>> -> memref<128x128xf32, #tpu.memory_space<hbm>>
        tpu.wait_dma2 semaphore(%run_scoped3A : memref<!tpu.dma_semaphore, #tpu.memory_space<semaphore_mem>>) src(%arg9 : memref<128x128xf32, #tpu.memory_space<vmem>>) dst(%dma_wait3A_90 : memref<128x128xf32, #tpu.memory_space<hbm>>)
        tpu.yield
      }) : () -> ()
    }
    %scan3A_23 = arith.constant 5 : i32
    return
  }
}

#map = affine_map<(d0, d1) -> (0, 0)>
#map1 = affine_map<(d0, d1) -> (0, 0, 0)>
#map2 = affine_map<(d0, d1) -> (0)>
module attributes {stable_mosaic.version = 14 : i64} {
  func.func @sc_agg(%arg0: i32, %arg1: i32, %arg2: memref<10000x128xf32, #tpu.memory_space<hbm>>, %arg3: memref<4000x2x80xi32, #tpu.memory_space<hbm>>, %arg4: memref<128x128xf32, #tpu.memory_space<hbm>>, %arg5: memref<10240xf32, #tpu.memory_space<hbm>>, %arg6: memref<2x10240x128xf32, #tpu.memory_space<hbm>>, %arg7: memref<32x10240xf32, #tpu.memory_space<hbm>>, %arg8: memref<10240x128xf32, #tpu.memory_space<vmem_shared>>, %arg9: memref<2x80xi32, #tpu.memory_space<vmem>>, %arg10: memref<80x128xf32, #tpu.memory_space<vmem>>, %arg11: memref<128x128xf32, #tpu.memory_space<vmem>>, %arg12: memref<128xi32, #tpu.memory_space<vmem>>, %arg13: memref<!tpu.dma_semaphore, #tpu.memory_space<semaphore_mem>>, %arg14: memref<!tpu.dma_semaphore, #tpu.memory_space<semaphore_mem>>, %arg15: memref<10240xf32, #tpu.memory_space<vmem>>) attributes {dimension_semantics = [#tpu.dimension_semantics<core_parallel>, #tpu.dimension_semantics<subcore_parallel>], iteration_bounds = array<i64: 2, 16>, scalar_prefetch = 0 : i64, scratch_operands = 8 : i64, tpu.core_type = #tpu.core_type<sc_vector_subcore>, window_params = [{transform_indices = #map}, {transform_indices = #map1}, {transform_indices = #map}, {transform_indices = #map2}, {transform_indices = #map1}, {transform_indices = #map}]} {
    %mul3A = arith.constant 2 : i32
    %mul3A_0 = arith.muli %arg1, %mul3A : i32
    %add3A = arith.addi %mul3A_0, %arg0 : i32
    %mul3A_1 = arith.constant 640 : i32
    %mul3A_2 = arith.muli %arg1, %mul3A_1 : i32
    %iota3A = tpu.iota {dimensions = array<i32: 0>} : vector<16xi32>
    "tpu.region"() ({
      %run_scoped3A = tpu.sem_alloc : memref<!tpu.dma_semaphore, #tpu.memory_space<semaphore_mem>>
      tpu.enqueue_dma source(%arg4 : memref<128x128xf32, #tpu.memory_space<hbm>>) target(%arg11 : memref<128x128xf32, #tpu.memory_space<vmem>>) target_semaphore(%run_scoped3A : memref<!tpu.dma_semaphore, #tpu.memory_space<semaphore_mem>>)
      tpu.wait_dma2 semaphore(%run_scoped3A : memref<!tpu.dma_semaphore, #tpu.memory_space<semaphore_mem>>) src(%arg4 : memref<128x128xf32, #tpu.memory_space<hbm>>) dst(%arg11 : memref<128x128xf32, #tpu.memory_space<vmem>>)
      tpu.yield
    }) : () -> ()
    "tpu.region"() ({
      %run_scoped3A = tpu.sem_alloc : memref<!tpu.dma_semaphore, #tpu.memory_space<semaphore_mem>>
      tpu.enqueue_dma source(%arg5 : memref<10240xf32, #tpu.memory_space<hbm>>) target(%arg15 : memref<10240xf32, #tpu.memory_space<vmem>>) target_semaphore(%run_scoped3A : memref<!tpu.dma_semaphore, #tpu.memory_space<semaphore_mem>>)
      tpu.wait_dma2 semaphore(%run_scoped3A : memref<!tpu.dma_semaphore, #tpu.memory_space<semaphore_mem>>) src(%arg5 : memref<10240xf32, #tpu.memory_space<hbm>>) dst(%arg15 : memref<10240xf32, #tpu.memory_space<vmem>>)
      tpu.yield
    }) : () -> ()
    %scan3A = arith.constant 0 : i32
    %scan3A_3 = arith.constant 0 : i32
    %scan3A_4 = arith.constant 5 : i32
    %scan3A_5 = arith.addi %scan3A_3, %scan3A_4 : i32
    %scan3A_6 = arith.constant 1 : i32
    scf.for %scan3A_24 = %scan3A_3 to %scan3A_5 step %scan3A_6  : i32 {
      %mul3A_25 = arith.constant 128 : i32
      %mul3A_26 = arith.muli %scan3A_24, %mul3A_25 : i32
      %add3A_27 = arith.addi %mul3A_2, %mul3A_26 : i32
      %add3A_28 = arith.constant 0 : i32
      %add3A_29 = arith.addi %add3A_27, %add3A_28 : i32
      %add3A_30 = vector.broadcast %add3A_29 : i32 to vector<16xi32>
      %add3A_31 = arith.addi %iota3A, %add3A_30 : vector<16xi32>
      %swap3A = arith.constant 0 : index
      %swap3A_32 = tpu.vector_load %arg12[%swap3A] {strides = array<i32>} : memref<128xi32, #tpu.memory_space<vmem>>, vector<16xi32>,
      tpu.vector_store %arg12[%swap3A], %add3A_31 {strides = array<i32>} : memref<128xi32, #tpu.memory_space<vmem>>, vector<16xi32>,
      %add3A_33 = arith.constant 16 : i32
      %add3A_34 = arith.addi %add3A_27, %add3A_33 : i32
      %add3A_35 = vector.broadcast %add3A_34 : i32 to vector<16xi32>
      %add3A_36 = arith.addi %iota3A, %add3A_35 : vector<16xi32>
      %swap3A_37 = arith.constant 16 : index
      %swap3A_38 = tpu.vector_load %arg12[%swap3A_37] {strides = array<i32>} : memref<128xi32, #tpu.memory_space<vmem>>, vector<16xi32>,
      tpu.vector_store %arg12[%swap3A_37], %add3A_36 {strides = array<i32>} : memref<128xi32, #tpu.memory_space<vmem>>, vector<16xi32>,
      %add3A_39 = arith.constant 32 : i32
      %add3A_40 = arith.addi %add3A_27, %add3A_39 : i32
      %add3A_41 = vector.broadcast %add3A_40 : i32 to vector<16xi32>
      %add3A_42 = arith.addi %iota3A, %add3A_41 : vector<16xi32>
      %swap3A_43 = arith.constant 32 : index
      %swap3A_44 = tpu.vector_load %arg12[%swap3A_43] {strides = array<i32>} : memref<128xi32, #tpu.memory_space<vmem>>, vector<16xi32>,
      tpu.vector_store %arg12[%swap3A_43], %add3A_42 {strides = array<i32>} : memref<128xi32, #tpu.memory_space<vmem>>, vector<16xi32>,
      %add3A_45 = arith.constant 48 : i32
      %add3A_46 = arith.addi %add3A_27, %add3A_45 : i32
      %add3A_47 = vector.broadcast %add3A_46 : i32 to vector<16xi32>
      %add3A_48 = arith.addi %iota3A, %add3A_47 : vector<16xi32>
      %swap3A_49 = arith.constant 48 : index
      %swap3A_50 = tpu.vector_load %arg12[%swap3A_49] {strides = array<i32>} : memref<128xi32, #tpu.memory_space<vmem>>, vector<16xi32>,
      tpu.vector_store %arg12[%swap3A_49], %add3A_48 {strides = array<i32>} : memref<128xi32, #tpu.memory_space<vmem>>, vector<16xi32>,
      %add3A_51 = arith.constant 64 : i32
      %add3A_52 = arith.addi %add3A_27, %add3A_51 : i32
      %add3A_53 = vector.broadcast %add3A_52 : i32 to vector<16xi32>
      %add3A_54 = arith.addi %iota3A, %add3A_53 : vector<16xi32>
      %swap3A_55 = arith.constant 64 : index
      %swap3A_56 = tpu.vector_load %arg12[%swap3A_55] {strides = array<i32>} : memref<128xi32, #tpu.memory_space<vmem>>, vector<16xi32>,
      tpu.vector_store %arg12[%swap3A_55], %add3A_54 {strides = array<i32>} : memref<128xi32, #tpu.memory_space<vmem>>, vector<16xi32>,
      %add3A_57 = arith.constant 80 : i32
      %add3A_58 = arith.addi %add3A_27, %add3A_57 : i32
      %add3A_59 = vector.broadcast %add3A_58 : i32 to vector<16xi32>
      %add3A_60 = arith.addi %iota3A, %add3A_59 : vector<16xi32>
      %swap3A_61 = arith.constant 80 : index
      %swap3A_62 = tpu.vector_load %arg12[%swap3A_61] {strides = array<i32>} : memref<128xi32, #tpu.memory_space<vmem>>, vector<16xi32>,
      tpu.vector_store %arg12[%swap3A_61], %add3A_60 {strides = array<i32>} : memref<128xi32, #tpu.memory_space<vmem>>, vector<16xi32>,
      %add3A_63 = arith.constant 96 : i32
      %add3A_64 = arith.addi %add3A_27, %add3A_63 : i32
      %add3A_65 = vector.broadcast %add3A_64 : i32 to vector<16xi32>
      %add3A_66 = arith.addi %iota3A, %add3A_65 : vector<16xi32>
      %swap3A_67 = arith.constant 96 : index
      %swap3A_68 = tpu.vector_load %arg12[%swap3A_67] {strides = array<i32>} : memref<128xi32, #tpu.memory_space<vmem>>, vector<16xi32>,
      tpu.vector_store %arg12[%swap3A_67], %add3A_66 {strides = array<i32>} : memref<128xi32, #tpu.memory_space<vmem>>, vector<16xi32>,
      %add3A_69 = arith.constant 112 : i32
      %add3A_70 = arith.addi %add3A_27, %add3A_69 : i32
      %add3A_71 = vector.broadcast %add3A_70 : i32 to vector<16xi32>
      %add3A_72 = arith.addi %iota3A, %add3A_71 : vector<16xi32>
      %swap3A_73 = arith.constant 112 : index
      %swap3A_74 = tpu.vector_load %arg12[%swap3A_73] {strides = array<i32>} : memref<128xi32, #tpu.memory_space<vmem>>, vector<16xi32>,
      tpu.vector_store %arg12[%swap3A_73], %add3A_72 {strides = array<i32>} : memref<128xi32, #tpu.memory_space<vmem>>, vector<16xi32>,
      "tpu.region"() ({
        %run_scoped3A = tpu.sem_alloc : memref<!tpu.dma_semaphore, #tpu.memory_space<semaphore_mem>>
        %dma_start3A = arith.constant 0 : i32
        %dma_start3A_75 = arith.constant 0 : i32
        %dma_start3A_76 = tpu.memref_slice %arg8[%dma_start3A, %dma_start3A_75] : memref<10240x128xf32, #tpu.memory_space<vmem_shared>> -> memref<10240x128xf32, #tpu.memory_space<vmem_shared>>
        tpu.enqueue_indirect_dma source(%arg11 : memref<128x128xf32, #tpu.memory_space<vmem>>) target(%dma_start3A_76 : memref<10240x128xf32, #tpu.memory_space<vmem_shared>>) offsets(%arg12 : memref<128xi32, #tpu.memory_space<vmem>>) semaphore(%run_scoped3A : memref<!tpu.dma_semaphore, #tpu.memory_space<semaphore_mem>>)
        %dma_wait3A = arith.constant 0 : i32
        %dma_wait3A_77 = arith.constant 0 : i32
        %dma_wait3A_78 = tpu.memref_slice %arg8[%dma_wait3A, %dma_wait3A_77] : memref<10240x128xf32, #tpu.memory_space<vmem_shared>> -> memref<10240x128xf32, #tpu.memory_space<vmem_shared>>
        tpu.wait_indirect_dma semaphore(%run_scoped3A : memref<!tpu.dma_semaphore, #tpu.memory_space<semaphore_mem>>) src(%arg11 : memref<128x128xf32, #tpu.memory_space<vmem>>) dst(%dma_wait3A_78 : memref<10240x128xf32, #tpu.memory_space<vmem_shared>>)
        tpu.yield
      }) : () -> ()
    }
    %scan3A_7 = arith.constant 5 : i32
    %barrier3A = arith.constant 0 : index
    tpu.barrier barrier_id(%barrier3A)
    %mul3A_8 = arith.constant 125 : i32
    %mul3A_9 = arith.muli %add3A, %mul3A_8 : i32
    %broadcast_in_dim3A = arith.constant 1.000000e+00 : f32
    %broadcast_in_dim3A_10 = vector.broadcast %broadcast_in_dim3A : f32 to vector<16xf32>
    %scan3A_11 = arith.constant 0 : i32
    %scan3A_12 = arith.constant 0 : i32
    %scan3A_13 = arith.constant 125 : i32
    %scan3A_14 = arith.addi %scan3A_12, %scan3A_13 : i32
    %scan3A_15 = arith.constant 1 : i32
    scf.for %scan3A_24 = %scan3A_12 to %scan3A_14 step %scan3A_15  : i32 {
      %add3A_25 = arith.addi %mul3A_9, %scan3A_24 : i32
      "tpu.region"() ({
        %run_scoped3A_83 = tpu.sem_alloc : memref<!tpu.dma_semaphore, #tpu.memory_space<semaphore_mem>>
        %dma_start3A_84 = arith.constant 0 : i32
        %dma_start3A_85 = arith.constant 0 : i32
        %dma_start3A_86 = tpu.memref_slice %arg3[%add3A_25, %dma_start3A_84, %dma_start3A_85] : memref<4000x2x80xi32, #tpu.memory_space<hbm>> -> memref<1x2x80xi32, #tpu.memory_space<hbm>>
        %dma_start3A_87 = tpu.memref_squeeze %dma_start3A_86 : memref<1x2x80xi32, #tpu.memory_space<hbm>> -> memref<2x80xi32, #tpu.memory_space<hbm>>
        %dma_start3A_88 = arith.constant 0 : i32
        %dma_start3A_89 = arith.constant 0 : i32
        %dma_start3A_90 = tpu.memref_slice %arg3[%add3A_25, %dma_start3A_88, %dma_start3A_89] : memref<4000x2x80xi32, #tpu.memory_space<hbm>> -> memref<1x2x80xi32, #tpu.memory_space<hbm>>
        %dma_start3A_91 = tpu.memref_squeeze %dma_start3A_90 : memref<1x2x80xi32, #tpu.memory_space<hbm>> -> memref<2x80xi32, #tpu.memory_space<hbm>>
        tpu.enqueue_dma source(%dma_start3A_91 : memref<2x80xi32, #tpu.memory_space<hbm>>) target(%arg9 : memref<2x80xi32, #tpu.memory_space<vmem>>) target_semaphore(%run_scoped3A_83 : memref<!tpu.dma_semaphore, #tpu.memory_space<semaphore_mem>>)
        %dma_wait3A_92 = arith.constant 0 : i32
        %dma_wait3A_93 = arith.constant 0 : i32
        %dma_wait3A_94 = tpu.memref_slice %arg3[%add3A_25, %dma_wait3A_92, %dma_wait3A_93] : memref<4000x2x80xi32, #tpu.memory_space<hbm>> -> memref<1x2x80xi32, #tpu.memory_space<hbm>>
        %dma_wait3A_95 = tpu.memref_squeeze %dma_wait3A_94 : memref<1x2x80xi32, #tpu.memory_space<hbm>> -> memref<2x80xi32, #tpu.memory_space<hbm>>
        %dma_wait3A_96 = arith.constant 0 : i32
        %dma_wait3A_97 = arith.constant 0 : i32
        %dma_wait3A_98 = tpu.memref_slice %arg3[%add3A_25, %dma_wait3A_96, %dma_wait3A_97] : memref<4000x2x80xi32, #tpu.memory_space<hbm>> -> memref<1x2x80xi32, #tpu.memory_space<hbm>>
        %dma_wait3A_99 = tpu.memref_squeeze %dma_wait3A_98 : memref<1x2x80xi32, #tpu.memory_space<hbm>> -> memref<2x80xi32, #tpu.memory_space<hbm>>
        tpu.wait_dma2 semaphore(%run_scoped3A_83 : memref<!tpu.dma_semaphore, #tpu.memory_space<semaphore_mem>>) src(%dma_wait3A_99 : memref<2x80xi32, #tpu.memory_space<hbm>>) dst(%arg9 : memref<2x80xi32, #tpu.memory_space<vmem>>)
        tpu.yield
      }) : () -> ()
      %dma_start3A = arith.constant 0 : i32
      %dma_start3A_26 = arith.constant 0 : i32
      %dma_start3A_27 = arith.constant 0 : i32
      %dma_start3A_28 = tpu.memref_slice %arg10[%dma_start3A_26, %dma_start3A_27] : memref<80x128xf32, #tpu.memory_space<vmem>> -> memref<40x128xf32, #tpu.memory_space<vmem>>
      %dma_start3A_29 = arith.constant 0 : i32
      %dma_start3A_30 = tpu.memref_slice %arg9[%dma_start3A, %dma_start3A_29] : memref<2x80xi32, #tpu.memory_space<vmem>> -> memref<1x40xi32, #tpu.memory_space<vmem>>
      %dma_start3A_31 = tpu.memref_squeeze %dma_start3A_30 : memref<1x40xi32, #tpu.memory_space<vmem>> -> memref<40xi32, #tpu.memory_space<vmem>>
      %dma_start3A_32 = arith.constant 0 : i32
      %dma_start3A_33 = arith.constant 0 : i32
      %dma_start3A_34 = tpu.memref_slice %arg2[%dma_start3A_32, %dma_start3A_33] : memref<10000x128xf32, #tpu.memory_space<hbm>> -> memref<10000x128xf32, #tpu.memory_space<hbm>>
      tpu.enqueue_indirect_dma source(%dma_start3A_34 : memref<10000x128xf32, #tpu.memory_space<hbm>>) target(%dma_start3A_28 : memref<40x128xf32, #tpu.memory_space<vmem>>) offsets(%dma_start3A_31 : memref<40xi32, #tpu.memory_space<vmem>>) semaphore(%arg13 : memref<!tpu.dma_semaphore, #tpu.memory_space<semaphore_mem>>)
      %dma_start3A_35 = arith.constant 0 : i32
      %dma_start3A_36 = arith.constant 40 : i32
      %dma_start3A_37 = arith.constant 0 : i32
      %dma_start3A_38 = tpu.memref_slice %arg10[%dma_start3A_36, %dma_start3A_37] : memref<80x128xf32, #tpu.memory_space<vmem>> -> memref<40x128xf32, #tpu.memory_space<vmem>>
      %dma_start3A_39 = arith.constant 40 : i32
      %dma_start3A_40 = tpu.memref_slice %arg9[%dma_start3A_35, %dma_start3A_39] : memref<2x80xi32, #tpu.memory_space<vmem>> -> memref<1x40xi32, #tpu.memory_space<vmem>>
      %dma_start3A_41 = tpu.memref_squeeze %dma_start3A_40 : memref<1x40xi32, #tpu.memory_space<vmem>> -> memref<40xi32, #tpu.memory_space<vmem>>
      %dma_start3A_42 = arith.constant 0 : i32
      %dma_start3A_43 = arith.constant 0 : i32
      %dma_start3A_44 = tpu.memref_slice %arg2[%dma_start3A_42, %dma_start3A_43] : memref<10000x128xf32, #tpu.memory_space<hbm>> -> memref<10000x128xf32, #tpu.memory_space<hbm>>
      tpu.enqueue_indirect_dma source(%dma_start3A_44 : memref<10000x128xf32, #tpu.memory_space<hbm>>) target(%dma_start3A_38 : memref<40x128xf32, #tpu.memory_space<vmem>>) offsets(%dma_start3A_41 : memref<40xi32, #tpu.memory_space<vmem>>) semaphore(%arg14 : memref<!tpu.dma_semaphore, #tpu.memory_space<semaphore_mem>>)
      %dma_wait3A = arith.constant 0 : i32
      %dma_wait3A_45 = arith.constant 0 : i32
      %dma_wait3A_46 = arith.constant 0 : i32
      %dma_wait3A_47 = tpu.memref_slice %arg10[%dma_wait3A_45, %dma_wait3A_46] : memref<80x128xf32, #tpu.memory_space<vmem>> -> memref<40x128xf32, #tpu.memory_space<vmem>>
      %dma_wait3A_48 = arith.constant 0 : i32
      %dma_wait3A_49 = tpu.memref_slice %arg9[%dma_wait3A, %dma_wait3A_48] : memref<2x80xi32, #tpu.memory_space<vmem>> -> memref<1x40xi32, #tpu.memory_space<vmem>>
      %dma_wait3A_50 = tpu.memref_squeeze %dma_wait3A_49 : memref<1x40xi32, #tpu.memory_space<vmem>> -> memref<40xi32, #tpu.memory_space<vmem>>
      %dma_wait3A_51 = arith.constant 0 : i32
      %dma_wait3A_52 = arith.constant 0 : i32
      %dma_wait3A_53 = tpu.memref_slice %arg2[%dma_wait3A_51, %dma_wait3A_52] : memref<10000x128xf32, #tpu.memory_space<hbm>> -> memref<10000x128xf32, #tpu.memory_space<hbm>>
      tpu.wait_indirect_dma semaphore(%arg13 : memref<!tpu.dma_semaphore, #tpu.memory_space<semaphore_mem>>) src(%dma_wait3A_53 : memref<10000x128xf32, #tpu.memory_space<hbm>>) dst(%dma_wait3A_47 : memref<40x128xf32, #tpu.memory_space<vmem>>)
      %dma_wait3A_54 = arith.constant 0 : i32
      %dma_wait3A_55 = arith.constant 40 : i32
      %dma_wait3A_56 = arith.constant 0 : i32
      %dma_wait3A_57 = tpu.memref_slice %arg10[%dma_wait3A_55, %dma_wait3A_56] : memref<80x128xf32, #tpu.memory_space<vmem>> -> memref<40x128xf32, #tpu.memory_space<vmem>>
      %dma_wait3A_58 = arith.constant 40 : i32
      %dma_wait3A_59 = tpu.memref_slice %arg9[%dma_wait3A_54, %dma_wait3A_58] : memref<2x80xi32, #tpu.memory_space<vmem>> -> memref<1x40xi32, #tpu.memory_space<vmem>>
      %dma_wait3A_60 = tpu.memref_squeeze %dma_wait3A_59 : memref<1x40xi32, #tpu.memory_space<vmem>> -> memref<40xi32, #tpu.memory_space<vmem>>
      %dma_wait3A_61 = arith.constant 0 : i32
      %dma_wait3A_62 = arith.constant 0 : i32
      %dma_wait3A_63 = tpu.memref_slice %arg2[%dma_wait3A_61, %dma_wait3A_62] : memref<10000x128xf32, #tpu.memory_space<hbm>> -> memref<10000x128xf32, #tpu.memory_space<hbm>>
      tpu.wait_indirect_dma semaphore(%arg14 : memref<!tpu.dma_semaphore, #tpu.memory_space<semaphore_mem>>) src(%dma_wait3A_63 : memref<10000x128xf32, #tpu.memory_space<hbm>>) dst(%dma_wait3A_57 : memref<40x128xf32, #tpu.memory_space<vmem>>)
      %run_scoped3A = arith.constant 1 : i32
      "tpu.region"() ({
        %run_scoped3A_83 = tpu.sem_alloc : memref<!tpu.dma_semaphore, #tpu.memory_space<semaphore_mem>>
        %dma_start3A_84 = arith.constant 0 : i32
        %dma_start3A_85 = tpu.memref_slice %arg9[%run_scoped3A, %dma_start3A_84] : memref<2x80xi32, #tpu.memory_space<vmem>> -> memref<1x80xi32, #tpu.memory_space<vmem>>
        %dma_start3A_86 = tpu.memref_squeeze %dma_start3A_85 : memref<1x80xi32, #tpu.memory_space<vmem>> -> memref<80xi32, #tpu.memory_space<vmem>>
        %dma_start3A_87 = arith.constant 0 : i32
        %dma_start3A_88 = arith.constant 0 : i32
        %dma_start3A_89 = tpu.memref_slice %arg8[%dma_start3A_87, %dma_start3A_88] : memref<10240x128xf32, #tpu.memory_space<vmem_shared>> -> memref<10240x128xf32, #tpu.memory_space<vmem_shared>>
        tpu.enqueue_indirect_dma source(%arg10 : memref<80x128xf32, #tpu.memory_space<vmem>>) target(%dma_start3A_89 : memref<10240x128xf32, #tpu.memory_space<vmem_shared>>) offsets(%dma_start3A_86 : memref<80xi32, #tpu.memory_space<vmem>>) semaphore(%run_scoped3A_83 : memref<!tpu.dma_semaphore, #tpu.memory_space<semaphore_mem>>) {add = true}
        %dma_wait3A_90 = arith.constant 0 : i32
        %dma_wait3A_91 = tpu.memref_slice %arg9[%run_scoped3A, %dma_wait3A_90] : memref<2x80xi32, #tpu.memory_space<vmem>> -> memref<1x80xi32, #tpu.memory_space<vmem>>
        %dma_wait3A_92 = tpu.memref_squeeze %dma_wait3A_91 : memref<1x80xi32, #tpu.memory_space<vmem>> -> memref<80xi32, #tpu.memory_space<vmem>>
        %dma_wait3A_93 = arith.constant 0 : i32
        %dma_wait3A_94 = arith.constant 0 : i32
        %dma_wait3A_95 = tpu.memref_slice %arg8[%dma_wait3A_93, %dma_wait3A_94] : memref<10240x128xf32, #tpu.memory_space<vmem_shared>> -> memref<10240x128xf32, #tpu.memory_space<vmem_shared>>
        tpu.wait_indirect_dma semaphore(%run_scoped3A_83 : memref<!tpu.dma_semaphore, #tpu.memory_space<semaphore_mem>>) src(%arg10 : memref<80x128xf32, #tpu.memory_space<vmem>>) dst(%dma_wait3A_95 : memref<10240x128xf32, #tpu.memory_space<vmem_shared>>)
        tpu.yield
      }) : () -> ()
      %get3A = arith.constant 1 : i32
      %get3A_64 = arith.index_cast %get3A : i32 to index
      %get3A_65 = arith.constant 0 : index
      %get3A_66 = tpu.vector_load %arg9[%get3A_64, %get3A_65] {strides = array<i32>} : memref<2x80xi32, #tpu.memory_space<vmem>>, vector<16xi32>,
      tpu.vector_store_idx %arg15[%get3A_66], %broadcast_in_dim3A_10 {add = true} : memref<10240xf32, #tpu.memory_space<vmem>>[vector<16xi32>], vector<16xf32>,
      %get3A_67 = arith.constant 1 : i32
      %get3A_68 = arith.index_cast %get3A_67 : i32 to index
      %get3A_69 = arith.constant 16 : index
      %get3A_70 = tpu.vector_load %arg9[%get3A_68, %get3A_69] {strides = array<i32>} : memref<2x80xi32, #tpu.memory_space<vmem>>, vector<16xi32>,
      tpu.vector_store_idx %arg15[%get3A_70], %broadcast_in_dim3A_10 {add = true} : memref<10240xf32, #tpu.memory_space<vmem>>[vector<16xi32>], vector<16xf32>,
      %get3A_71 = arith.constant 1 : i32
      %get3A_72 = arith.index_cast %get3A_71 : i32 to index
      %get3A_73 = arith.constant 32 : index
      %get3A_74 = tpu.vector_load %arg9[%get3A_72, %get3A_73] {strides = array<i32>} : memref<2x80xi32, #tpu.memory_space<vmem>>, vector<16xi32>,
      tpu.vector_store_idx %arg15[%get3A_74], %broadcast_in_dim3A_10 {add = true} : memref<10240xf32, #tpu.memory_space<vmem>>[vector<16xi32>], vector<16xf32>,
      %get3A_75 = arith.constant 1 : i32
      %get3A_76 = arith.index_cast %get3A_75 : i32 to index
      %get3A_77 = arith.constant 48 : index
      %get3A_78 = tpu.vector_load %arg9[%get3A_76, %get3A_77] {strides = array<i32>} : memref<2x80xi32, #tpu.memory_space<vmem>>, vector<16xi32>,
      tpu.vector_store_idx %arg15[%get3A_78], %broadcast_in_dim3A_10 {add = true} : memref<10240xf32, #tpu.memory_space<vmem>>[vector<16xi32>], vector<16xf32>,
      %get3A_79 = arith.constant 1 : i32
      %get3A_80 = arith.index_cast %get3A_79 : i32 to index
      %get3A_81 = arith.constant 64 : index
      %get3A_82 = tpu.vector_load %arg9[%get3A_80, %get3A_81] {strides = array<i32>} : memref<2x80xi32, #tpu.memory_space<vmem>>, vector<16xi32>,
      tpu.vector_store_idx %arg15[%get3A_82], %broadcast_in_dim3A_10 {add = true} : memref<10240xf32, #tpu.memory_space<vmem>>[vector<16xi32>], vector<16xf32>,
    }
    %scan3A_16 = arith.constant 125 : i32
    %barrier3A_17 = arith.constant 0 : index
    tpu.barrier barrier_id(%barrier3A_17)
    %scan3A_18 = arith.constant 0 : i32
    %scan3A_19 = arith.constant 0 : i32
    %scan3A_20 = arith.constant 5 : i32
    %scan3A_21 = arith.addi %scan3A_19, %scan3A_20 : i32
    %scan3A_22 = arith.constant 1 : i32
    scf.for %scan3A_24 = %scan3A_19 to %scan3A_21 step %scan3A_22  : i32 {
      %mul3A_25 = arith.constant 128 : i32
      %mul3A_26 = arith.muli %scan3A_24, %mul3A_25 : i32
      %add3A_27 = arith.addi %mul3A_2, %mul3A_26 : i32
      %add3A_28 = arith.constant 0 : i32
      %add3A_29 = arith.addi %add3A_27, %add3A_28 : i32
      %add3A_30 = vector.broadcast %add3A_29 : i32 to vector<16xi32>
      %add3A_31 = arith.addi %iota3A, %add3A_30 : vector<16xi32>
      %swap3A = arith.constant 0 : index
      %swap3A_32 = tpu.vector_load %arg12[%swap3A] {strides = array<i32>} : memref<128xi32, #tpu.memory_space<vmem>>, vector<16xi32>,
      tpu.vector_store %arg12[%swap3A], %add3A_31 {strides = array<i32>} : memref<128xi32, #tpu.memory_space<vmem>>, vector<16xi32>,
      %add3A_33 = arith.constant 16 : i32
      %add3A_34 = arith.addi %add3A_27, %add3A_33 : i32
      %add3A_35 = vector.broadcast %add3A_34 : i32 to vector<16xi32>
      %add3A_36 = arith.addi %iota3A, %add3A_35 : vector<16xi32>
      %swap3A_37 = arith.constant 16 : index
      %swap3A_38 = tpu.vector_load %arg12[%swap3A_37] {strides = array<i32>} : memref<128xi32, #tpu.memory_space<vmem>>, vector<16xi32>,
      tpu.vector_store %arg12[%swap3A_37], %add3A_36 {strides = array<i32>} : memref<128xi32, #tpu.memory_space<vmem>>, vector<16xi32>,
      %add3A_39 = arith.constant 32 : i32
      %add3A_40 = arith.addi %add3A_27, %add3A_39 : i32
      %add3A_41 = vector.broadcast %add3A_40 : i32 to vector<16xi32>
      %add3A_42 = arith.addi %iota3A, %add3A_41 : vector<16xi32>
      %swap3A_43 = arith.constant 32 : index
      %swap3A_44 = tpu.vector_load %arg12[%swap3A_43] {strides = array<i32>} : memref<128xi32, #tpu.memory_space<vmem>>, vector<16xi32>,
      tpu.vector_store %arg12[%swap3A_43], %add3A_42 {strides = array<i32>} : memref<128xi32, #tpu.memory_space<vmem>>, vector<16xi32>,
      %add3A_45 = arith.constant 48 : i32
      %add3A_46 = arith.addi %add3A_27, %add3A_45 : i32
      %add3A_47 = vector.broadcast %add3A_46 : i32 to vector<16xi32>
      %add3A_48 = arith.addi %iota3A, %add3A_47 : vector<16xi32>
      %swap3A_49 = arith.constant 48 : index
      %swap3A_50 = tpu.vector_load %arg12[%swap3A_49] {strides = array<i32>} : memref<128xi32, #tpu.memory_space<vmem>>, vector<16xi32>,
      tpu.vector_store %arg12[%swap3A_49], %add3A_48 {strides = array<i32>} : memref<128xi32, #tpu.memory_space<vmem>>, vector<16xi32>,
      %add3A_51 = arith.constant 64 : i32
      %add3A_52 = arith.addi %add3A_27, %add3A_51 : i32
      %add3A_53 = vector.broadcast %add3A_52 : i32 to vector<16xi32>
      %add3A_54 = arith.addi %iota3A, %add3A_53 : vector<16xi32>
      %swap3A_55 = arith.constant 64 : index
      %swap3A_56 = tpu.vector_load %arg12[%swap3A_55] {strides = array<i32>} : memref<128xi32, #tpu.memory_space<vmem>>, vector<16xi32>,
      tpu.vector_store %arg12[%swap3A_55], %add3A_54 {strides = array<i32>} : memref<128xi32, #tpu.memory_space<vmem>>, vector<16xi32>,
      %add3A_57 = arith.constant 80 : i32
      %add3A_58 = arith.addi %add3A_27, %add3A_57 : i32
      %add3A_59 = vector.broadcast %add3A_58 : i32 to vector<16xi32>
      %add3A_60 = arith.addi %iota3A, %add3A_59 : vector<16xi32>
      %swap3A_61 = arith.constant 80 : index
      %swap3A_62 = tpu.vector_load %arg12[%swap3A_61] {strides = array<i32>} : memref<128xi32, #tpu.memory_space<vmem>>, vector<16xi32>,
      tpu.vector_store %arg12[%swap3A_61], %add3A_60 {strides = array<i32>} : memref<128xi32, #tpu.memory_space<vmem>>, vector<16xi32>,
      %add3A_63 = arith.constant 96 : i32
      %add3A_64 = arith.addi %add3A_27, %add3A_63 : i32
      %add3A_65 = vector.broadcast %add3A_64 : i32 to vector<16xi32>
      %add3A_66 = arith.addi %iota3A, %add3A_65 : vector<16xi32>
      %swap3A_67 = arith.constant 96 : index
      %swap3A_68 = tpu.vector_load %arg12[%swap3A_67] {strides = array<i32>} : memref<128xi32, #tpu.memory_space<vmem>>, vector<16xi32>,
      tpu.vector_store %arg12[%swap3A_67], %add3A_66 {strides = array<i32>} : memref<128xi32, #tpu.memory_space<vmem>>, vector<16xi32>,
      %add3A_69 = arith.constant 112 : i32
      %add3A_70 = arith.addi %add3A_27, %add3A_69 : i32
      %add3A_71 = vector.broadcast %add3A_70 : i32 to vector<16xi32>
      %add3A_72 = arith.addi %iota3A, %add3A_71 : vector<16xi32>
      %swap3A_73 = arith.constant 112 : index
      %swap3A_74 = tpu.vector_load %arg12[%swap3A_73] {strides = array<i32>} : memref<128xi32, #tpu.memory_space<vmem>>, vector<16xi32>,
      tpu.vector_store %arg12[%swap3A_73], %add3A_72 {strides = array<i32>} : memref<128xi32, #tpu.memory_space<vmem>>, vector<16xi32>,
      %dma_start3A = arith.constant 0 : i32
      %dma_start3A_75 = arith.constant 0 : i32
      %dma_start3A_76 = tpu.memref_slice %arg8[%dma_start3A, %dma_start3A_75] : memref<10240x128xf32, #tpu.memory_space<vmem_shared>> -> memref<10240x128xf32, #tpu.memory_space<vmem_shared>>
      tpu.enqueue_indirect_dma source(%dma_start3A_76 : memref<10240x128xf32, #tpu.memory_space<vmem_shared>>) target(%arg11 : memref<128x128xf32, #tpu.memory_space<vmem>>) offsets(%arg12 : memref<128xi32, #tpu.memory_space<vmem>>) semaphore(%arg13 : memref<!tpu.dma_semaphore, #tpu.memory_space<semaphore_mem>>)
      %dma_wait3A = arith.constant 0 : i32
      %dma_wait3A_77 = arith.constant 0 : i32
      %dma_wait3A_78 = tpu.memref_slice %arg8[%dma_wait3A, %dma_wait3A_77] : memref<10240x128xf32, #tpu.memory_space<vmem_shared>> -> memref<10240x128xf32, #tpu.memory_space<vmem_shared>>
      tpu.wait_indirect_dma semaphore(%arg13 : memref<!tpu.dma_semaphore, #tpu.memory_space<semaphore_mem>>) src(%dma_wait3A_78 : memref<10240x128xf32, #tpu.memory_space<vmem_shared>>) dst(%arg11 : memref<128x128xf32, #tpu.memory_space<vmem>>)
      %multiple_of3A = tpu.assume_multiple %add3A_27, 8 : i32
      "tpu.region"() ({
        %run_scoped3A = tpu.sem_alloc : memref<!tpu.dma_semaphore, #tpu.memory_space<semaphore_mem>>
        %dma_start3A_79 = arith.constant 0 : i32
        %dma_start3A_80 = tpu.memref_slice %arg6[%arg0, %multiple_of3A, %dma_start3A_79] : memref<2x10240x128xf32, #tpu.memory_space<hbm>> -> memref<1x128x128xf32, #tpu.memory_space<hbm>>
        %dma_start3A_81 = tpu.memref_squeeze %dma_start3A_80 : memref<1x128x128xf32, #tpu.memory_space<hbm>> -> memref<128x128xf32, #tpu.memory_space<hbm>>
        %dma_start3A_82 = arith.constant 0 : i32
        %dma_start3A_83 = tpu.memref_slice %arg6[%arg0, %multiple_of3A, %dma_start3A_82] : memref<2x10240x128xf32, #tpu.memory_space<hbm>> -> memref<1x128x128xf32, #tpu.memory_space<hbm>>
        %dma_start3A_84 = tpu.memref_squeeze %dma_start3A_83 : memref<1x128x128xf32, #tpu.memory_space<hbm>> -> memref<128x128xf32, #tpu.memory_space<hbm>>
        tpu.enqueue_dma source(%arg11 : memref<128x128xf32, #tpu.memory_space<vmem>>) target(%dma_start3A_84 : memref<128x128xf32, #tpu.memory_space<hbm>>) target_semaphore(%run_scoped3A : memref<!tpu.dma_semaphore, #tpu.memory_space<semaphore_mem>>)
        %dma_wait3A_85 = arith.constant 0 : i32
        %dma_wait3A_86 = tpu.memref_slice %arg6[%arg0, %multiple_of3A, %dma_wait3A_85] : memref<2x10240x128xf32, #tpu.memory_space<hbm>> -> memref<1x128x128xf32, #tpu.memory_space<hbm>>
        %dma_wait3A_87 = tpu.memref_squeeze %dma_wait3A_86 : memref<1x128x128xf32, #tpu.memory_space<hbm>> -> memref<128x128xf32, #tpu.memory_space<hbm>>
        %dma_wait3A_88 = arith.constant 0 : i32
        %dma_wait3A_89 = tpu.memref_slice %arg6[%arg0, %multiple_of3A, %dma_wait3A_88] : memref<2x10240x128xf32, #tpu.memory_space<hbm>> -> memref<1x128x128xf32, #tpu.memory_space<hbm>>
        %dma_wait3A_90 = tpu.memref_squeeze %dma_wait3A_89 : memref<1x128x128xf32, #tpu.memory_space<hbm>> -> memref<128x128xf32, #tpu.memory_space<hbm>>
        tpu.wait_dma2 semaphore(%run_scoped3A : memref<!tpu.dma_semaphore, #tpu.memory_space<semaphore_mem>>) src(%arg11 : memref<128x128xf32, #tpu.memory_space<vmem>>) dst(%dma_wait3A_90 : memref<128x128xf32, #tpu.memory_space<hbm>>)
        tpu.yield
      }) : () -> ()
    }
    %scan3A_23 = arith.constant 5 : i32
    "tpu.region"() ({
      %run_scoped3A = tpu.sem_alloc : memref<!tpu.dma_semaphore, #tpu.memory_space<semaphore_mem>>
      %dma_start3A = arith.constant 0 : i32
      %dma_start3A_24 = tpu.memref_slice %arg7[%add3A, %dma_start3A] : memref<32x10240xf32, #tpu.memory_space<hbm>> -> memref<1x10240xf32, #tpu.memory_space<hbm>>
      %dma_start3A_25 = tpu.memref_squeeze %dma_start3A_24 : memref<1x10240xf32, #tpu.memory_space<hbm>> -> memref<10240xf32, #tpu.memory_space<hbm>>
      %dma_start3A_26 = arith.constant 0 : i32
      %dma_start3A_27 = tpu.memref_slice %arg7[%add3A, %dma_start3A_26] : memref<32x10240xf32, #tpu.memory_space<hbm>> -> memref<1x10240xf32, #tpu.memory_space<hbm>>
      %dma_start3A_28 = tpu.memref_squeeze %dma_start3A_27 : memref<1x10240xf32, #tpu.memory_space<hbm>> -> memref<10240xf32, #tpu.memory_space<hbm>>
      tpu.enqueue_dma source(%arg15 : memref<10240xf32, #tpu.memory_space<vmem>>) target(%dma_start3A_28 : memref<10240xf32, #tpu.memory_space<hbm>>) target_semaphore(%run_scoped3A : memref<!tpu.dma_semaphore, #tpu.memory_space<semaphore_mem>>)
      %dma_wait3A = arith.constant 0 : i32
      %dma_wait3A_29 = tpu.memref_slice %arg7[%add3A, %dma_wait3A] : memref<32x10240xf32, #tpu.memory_space<hbm>> -> memref<1x10240xf32, #tpu.memory_space<hbm>>
      %dma_wait3A_30 = tpu.memref_squeeze %dma_wait3A_29 : memref<1x10240xf32, #tpu.memory_space<hbm>> -> memref<10240xf32, #tpu.memory_space<hbm>>
      %dma_wait3A_31 = arith.constant 0 : i32
      %dma_wait3A_32 = tpu.memref_slice %arg7[%add3A, %dma_wait3A_31] : memref<32x10240xf32, #tpu.memory_space<hbm>> -> memref<1x10240xf32, #tpu.memory_space<hbm>>
      %dma_wait3A_33 = tpu.memref_squeeze %dma_wait3A_32 : memref<1x10240xf32, #tpu.memory_space<hbm>> -> memref<10240xf32, #tpu.memory_space<hbm>>
      tpu.wait_dma2 semaphore(%run_scoped3A : memref<!tpu.dma_semaphore, #tpu.memory_space<semaphore_mem>>) src(%arg15 : memref<10240xf32, #tpu.memory_space<vmem>>) dst(%dma_wait3A_33 : memref<10240xf32, #tpu.memory_space<hbm>>)
      tpu.yield
    }) : () -> ()
    return
  }
}

#map = affine_map<(d0, d1) -> (0, 0)>
#map1 = affine_map<(d0, d1) -> (0, 0, 0)>
module attributes {stable_mosaic.version = 14 : i64} {
  func.func @sc_agg(%arg0: i32, %arg1: i32, %arg2: memref<10000x128xf32, #tpu.memory_space<hbm>>, %arg3: memref<4000x2x80xi32, #tpu.memory_space<hbm>>, %arg4: memref<128x128xf32, #tpu.memory_space<hbm>>, %arg5: memref<2x10240x128xf32, #tpu.memory_space<hbm>>, %arg6: memref<10240x128xf32, #tpu.memory_space<vmem_shared>>, %arg7: memref<2x80xi32, #tpu.memory_space<vmem>>, %arg8: memref<80x128xf32, #tpu.memory_space<vmem>>, %arg9: memref<128x128xf32, #tpu.memory_space<vmem>>, %arg10: memref<128xi32, #tpu.memory_space<vmem>>, %arg11: memref<!tpu.dma_semaphore, #tpu.memory_space<semaphore_mem>>, %arg12: memref<!tpu.dma_semaphore, #tpu.memory_space<semaphore_mem>>) attributes {dimension_semantics = [#tpu.dimension_semantics<core_parallel>, #tpu.dimension_semantics<subcore_parallel>], iteration_bounds = array<i64: 2, 16>, scalar_prefetch = 0 : i64, scratch_operands = 7 : i64, tpu.core_type = #tpu.core_type<sc_vector_subcore>, window_params = [{transform_indices = #map}, {transform_indices = #map1}, {transform_indices = #map}, {transform_indices = #map1}]} {
    %mul3A = arith.constant 2 : i32
    %mul3A_0 = arith.muli %arg1, %mul3A : i32
    %add3A = arith.addi %mul3A_0, %arg0 : i32
    %mul3A_1 = arith.constant 640 : i32
    %mul3A_2 = arith.muli %arg1, %mul3A_1 : i32
    %iota3A = tpu.iota {dimensions = array<i32: 0>} : vector<16xi32>
    "tpu.region"() ({
      %run_scoped3A = tpu.sem_alloc : memref<!tpu.dma_semaphore, #tpu.memory_space<semaphore_mem>>
      tpu.enqueue_dma source(%arg4 : memref<128x128xf32, #tpu.memory_space<hbm>>) target(%arg9 : memref<128x128xf32, #tpu.memory_space<vmem>>) target_semaphore(%run_scoped3A : memref<!tpu.dma_semaphore, #tpu.memory_space<semaphore_mem>>)
      tpu.wait_dma2 semaphore(%run_scoped3A : memref<!tpu.dma_semaphore, #tpu.memory_space<semaphore_mem>>) src(%arg4 : memref<128x128xf32, #tpu.memory_space<hbm>>) dst(%arg9 : memref<128x128xf32, #tpu.memory_space<vmem>>)
      tpu.yield
    }) : () -> ()
    %scan3A = arith.constant 0 : i32
    %scan3A_3 = arith.constant 0 : i32
    %scan3A_4 = arith.constant 5 : i32
    %scan3A_5 = arith.addi %scan3A_3, %scan3A_4 : i32
    %scan3A_6 = arith.constant 1 : i32
    scf.for %scan3A_24 = %scan3A_3 to %scan3A_5 step %scan3A_6  : i32 {
      %mul3A_25 = arith.constant 128 : i32
      %mul3A_26 = arith.muli %scan3A_24, %mul3A_25 : i32
      %add3A_27 = arith.addi %mul3A_2, %mul3A_26 : i32
      %add3A_28 = arith.constant 0 : i32
      %add3A_29 = arith.addi %add3A_27, %add3A_28 : i32
      %add3A_30 = vector.broadcast %add3A_29 : i32 to vector<16xi32>
      %add3A_31 = arith.addi %iota3A, %add3A_30 : vector<16xi32>
      %swap3A = arith.constant 0 : index
      %swap3A_32 = tpu.vector_load %arg10[%swap3A] {strides = array<i32>} : memref<128xi32, #tpu.memory_space<vmem>>, vector<16xi32>,
      tpu.vector_store %arg10[%swap3A], %add3A_31 {strides = array<i32>} : memref<128xi32, #tpu.memory_space<vmem>>, vector<16xi32>,
      %add3A_33 = arith.constant 16 : i32
      %add3A_34 = arith.addi %add3A_27, %add3A_33 : i32
      %add3A_35 = vector.broadcast %add3A_34 : i32 to vector<16xi32>
      %add3A_36 = arith.addi %iota3A, %add3A_35 : vector<16xi32>
      %swap3A_37 = arith.constant 16 : index
      %swap3A_38 = tpu.vector_load %arg10[%swap3A_37] {strides = array<i32>} : memref<128xi32, #tpu.memory_space<vmem>>, vector<16xi32>,
      tpu.vector_store %arg10[%swap3A_37], %add3A_36 {strides = array<i32>} : memref<128xi32, #tpu.memory_space<vmem>>, vector<16xi32>,
      %add3A_39 = arith.constant 32 : i32
      %add3A_40 = arith.addi %add3A_27, %add3A_39 : i32
      %add3A_41 = vector.broadcast %add3A_40 : i32 to vector<16xi32>
      %add3A_42 = arith.addi %iota3A, %add3A_41 : vector<16xi32>
      %swap3A_43 = arith.constant 32 : index
      %swap3A_44 = tpu.vector_load %arg10[%swap3A_43] {strides = array<i32>} : memref<128xi32, #tpu.memory_space<vmem>>, vector<16xi32>,
      tpu.vector_store %arg10[%swap3A_43], %add3A_42 {strides = array<i32>} : memref<128xi32, #tpu.memory_space<vmem>>, vector<16xi32>,
      %add3A_45 = arith.constant 48 : i32
      %add3A_46 = arith.addi %add3A_27, %add3A_45 : i32
      %add3A_47 = vector.broadcast %add3A_46 : i32 to vector<16xi32>
      %add3A_48 = arith.addi %iota3A, %add3A_47 : vector<16xi32>
      %swap3A_49 = arith.constant 48 : index
      %swap3A_50 = tpu.vector_load %arg10[%swap3A_49] {strides = array<i32>} : memref<128xi32, #tpu.memory_space<vmem>>, vector<16xi32>,
      tpu.vector_store %arg10[%swap3A_49], %add3A_48 {strides = array<i32>} : memref<128xi32, #tpu.memory_space<vmem>>, vector<16xi32>,
      %add3A_51 = arith.constant 64 : i32
      %add3A_52 = arith.addi %add3A_27, %add3A_51 : i32
      %add3A_53 = vector.broadcast %add3A_52 : i32 to vector<16xi32>
      %add3A_54 = arith.addi %iota3A, %add3A_53 : vector<16xi32>
      %swap3A_55 = arith.constant 64 : index
      %swap3A_56 = tpu.vector_load %arg10[%swap3A_55] {strides = array<i32>} : memref<128xi32, #tpu.memory_space<vmem>>, vector<16xi32>,
      tpu.vector_store %arg10[%swap3A_55], %add3A_54 {strides = array<i32>} : memref<128xi32, #tpu.memory_space<vmem>>, vector<16xi32>,
      %add3A_57 = arith.constant 80 : i32
      %add3A_58 = arith.addi %add3A_27, %add3A_57 : i32
      %add3A_59 = vector.broadcast %add3A_58 : i32 to vector<16xi32>
      %add3A_60 = arith.addi %iota3A, %add3A_59 : vector<16xi32>
      %swap3A_61 = arith.constant 80 : index
      %swap3A_62 = tpu.vector_load %arg10[%swap3A_61] {strides = array<i32>} : memref<128xi32, #tpu.memory_space<vmem>>, vector<16xi32>,
      tpu.vector_store %arg10[%swap3A_61], %add3A_60 {strides = array<i32>} : memref<128xi32, #tpu.memory_space<vmem>>, vector<16xi32>,
      %add3A_63 = arith.constant 96 : i32
      %add3A_64 = arith.addi %add3A_27, %add3A_63 : i32
      %add3A_65 = vector.broadcast %add3A_64 : i32 to vector<16xi32>
      %add3A_66 = arith.addi %iota3A, %add3A_65 : vector<16xi32>
      %swap3A_67 = arith.constant 96 : index
      %swap3A_68 = tpu.vector_load %arg10[%swap3A_67] {strides = array<i32>} : memref<128xi32, #tpu.memory_space<vmem>>, vector<16xi32>,
      tpu.vector_store %arg10[%swap3A_67], %add3A_66 {strides = array<i32>} : memref<128xi32, #tpu.memory_space<vmem>>, vector<16xi32>,
      %add3A_69 = arith.constant 112 : i32
      %add3A_70 = arith.addi %add3A_27, %add3A_69 : i32
      %add3A_71 = vector.broadcast %add3A_70 : i32 to vector<16xi32>
      %add3A_72 = arith.addi %iota3A, %add3A_71 : vector<16xi32>
      %swap3A_73 = arith.constant 112 : index
      %swap3A_74 = tpu.vector_load %arg10[%swap3A_73] {strides = array<i32>} : memref<128xi32, #tpu.memory_space<vmem>>, vector<16xi32>,
      tpu.vector_store %arg10[%swap3A_73], %add3A_72 {strides = array<i32>} : memref<128xi32, #tpu.memory_space<vmem>>, vector<16xi32>,
      "tpu.region"() ({
        %run_scoped3A = tpu.sem_alloc : memref<!tpu.dma_semaphore, #tpu.memory_space<semaphore_mem>>
        %dma_start3A = arith.constant 0 : i32
        %dma_start3A_75 = arith.constant 0 : i32
        %dma_start3A_76 = tpu.memref_slice %arg6[%dma_start3A, %dma_start3A_75] : memref<10240x128xf32, #tpu.memory_space<vmem_shared>> -> memref<10240x128xf32, #tpu.memory_space<vmem_shared>>
        tpu.enqueue_indirect_dma source(%arg9 : memref<128x128xf32, #tpu.memory_space<vmem>>) target(%dma_start3A_76 : memref<10240x128xf32, #tpu.memory_space<vmem_shared>>) offsets(%arg10 : memref<128xi32, #tpu.memory_space<vmem>>) semaphore(%run_scoped3A : memref<!tpu.dma_semaphore, #tpu.memory_space<semaphore_mem>>)
        %dma_wait3A = arith.constant 0 : i32
        %dma_wait3A_77 = arith.constant 0 : i32
        %dma_wait3A_78 = tpu.memref_slice %arg6[%dma_wait3A, %dma_wait3A_77] : memref<10240x128xf32, #tpu.memory_space<vmem_shared>> -> memref<10240x128xf32, #tpu.memory_space<vmem_shared>>
        tpu.wait_indirect_dma semaphore(%run_scoped3A : memref<!tpu.dma_semaphore, #tpu.memory_space<semaphore_mem>>) src(%arg9 : memref<128x128xf32, #tpu.memory_space<vmem>>) dst(%dma_wait3A_78 : memref<10240x128xf32, #tpu.memory_space<vmem_shared>>)
        tpu.yield
      }) : () -> ()
    }
    %scan3A_7 = arith.constant 5 : i32
    %barrier3A = arith.constant 0 : index
    tpu.barrier barrier_id(%barrier3A)
    %mul3A_8 = arith.constant 125 : i32
    %mul3A_9 = arith.muli %add3A, %mul3A_8 : i32
    %broadcast_in_dim3A = arith.constant 1.000000e+00 : f32
    %broadcast_in_dim3A_10 = vector.broadcast %broadcast_in_dim3A : f32 to vector<16xf32>
    %scan3A_11 = arith.constant 0 : i32
    %scan3A_12 = arith.constant 0 : i32
    %scan3A_13 = arith.constant 125 : i32
    %scan3A_14 = arith.addi %scan3A_12, %scan3A_13 : i32
    %scan3A_15 = arith.constant 1 : i32
    scf.for %scan3A_24 = %scan3A_12 to %scan3A_14 step %scan3A_15  : i32 {
      %add3A_25 = arith.addi %mul3A_9, %scan3A_24 : i32
      "tpu.region"() ({
        %run_scoped3A_64 = tpu.sem_alloc : memref<!tpu.dma_semaphore, #tpu.memory_space<semaphore_mem>>
        %dma_start3A_65 = arith.constant 0 : i32
        %dma_start3A_66 = arith.constant 0 : i32
        %dma_start3A_67 = tpu.memref_slice %arg3[%add3A_25, %dma_start3A_65, %dma_start3A_66] : memref<4000x2x80xi32, #tpu.memory_space<hbm>> -> memref<1x2x80xi32, #tpu.memory_space<hbm>>
        %dma_start3A_68 = tpu.memref_squeeze %dma_start3A_67 : memref<1x2x80xi32, #tpu.memory_space<hbm>> -> memref<2x80xi32, #tpu.memory_space<hbm>>
        %dma_start3A_69 = arith.constant 0 : i32
        %dma_start3A_70 = arith.constant 0 : i32
        %dma_start3A_71 = tpu.memref_slice %arg3[%add3A_25, %dma_start3A_69, %dma_start3A_70] : memref<4000x2x80xi32, #tpu.memory_space<hbm>> -> memref<1x2x80xi32, #tpu.memory_space<hbm>>
        %dma_start3A_72 = tpu.memref_squeeze %dma_start3A_71 : memref<1x2x80xi32, #tpu.memory_space<hbm>> -> memref<2x80xi32, #tpu.memory_space<hbm>>
        tpu.enqueue_dma source(%dma_start3A_72 : memref<2x80xi32, #tpu.memory_space<hbm>>) target(%arg7 : memref<2x80xi32, #tpu.memory_space<vmem>>) target_semaphore(%run_scoped3A_64 : memref<!tpu.dma_semaphore, #tpu.memory_space<semaphore_mem>>)
        %dma_wait3A_73 = arith.constant 0 : i32
        %dma_wait3A_74 = arith.constant 0 : i32
        %dma_wait3A_75 = tpu.memref_slice %arg3[%add3A_25, %dma_wait3A_73, %dma_wait3A_74] : memref<4000x2x80xi32, #tpu.memory_space<hbm>> -> memref<1x2x80xi32, #tpu.memory_space<hbm>>
        %dma_wait3A_76 = tpu.memref_squeeze %dma_wait3A_75 : memref<1x2x80xi32, #tpu.memory_space<hbm>> -> memref<2x80xi32, #tpu.memory_space<hbm>>
        %dma_wait3A_77 = arith.constant 0 : i32
        %dma_wait3A_78 = arith.constant 0 : i32
        %dma_wait3A_79 = tpu.memref_slice %arg3[%add3A_25, %dma_wait3A_77, %dma_wait3A_78] : memref<4000x2x80xi32, #tpu.memory_space<hbm>> -> memref<1x2x80xi32, #tpu.memory_space<hbm>>
        %dma_wait3A_80 = tpu.memref_squeeze %dma_wait3A_79 : memref<1x2x80xi32, #tpu.memory_space<hbm>> -> memref<2x80xi32, #tpu.memory_space<hbm>>
        tpu.wait_dma2 semaphore(%run_scoped3A_64 : memref<!tpu.dma_semaphore, #tpu.memory_space<semaphore_mem>>) src(%dma_wait3A_80 : memref<2x80xi32, #tpu.memory_space<hbm>>) dst(%arg7 : memref<2x80xi32, #tpu.memory_space<vmem>>)
        tpu.yield
      }) : () -> ()
      %dma_start3A = arith.constant 0 : i32
      %dma_start3A_26 = arith.constant 0 : i32
      %dma_start3A_27 = arith.constant 0 : i32
      %dma_start3A_28 = tpu.memref_slice %arg8[%dma_start3A_26, %dma_start3A_27] : memref<80x128xf32, #tpu.memory_space<vmem>> -> memref<40x128xf32, #tpu.memory_space<vmem>>
      %dma_start3A_29 = arith.constant 0 : i32
      %dma_start3A_30 = tpu.memref_slice %arg7[%dma_start3A, %dma_start3A_29] : memref<2x80xi32, #tpu.memory_space<vmem>> -> memref<1x40xi32, #tpu.memory_space<vmem>>
      %dma_start3A_31 = tpu.memref_squeeze %dma_start3A_30 : memref<1x40xi32, #tpu.memory_space<vmem>> -> memref<40xi32, #tpu.memory_space<vmem>>
      %dma_start3A_32 = arith.constant 0 : i32
      %dma_start3A_33 = arith.constant 0 : i32
      %dma_start3A_34 = tpu.memref_slice %arg2[%dma_start3A_32, %dma_start3A_33] : memref<10000x128xf32, #tpu.memory_space<hbm>> -> memref<10000x128xf32, #tpu.memory_space<hbm>>
      tpu.enqueue_indirect_dma source(%dma_start3A_34 : memref<10000x128xf32, #tpu.memory_space<hbm>>) target(%dma_start3A_28 : memref<40x128xf32, #tpu.memory_space<vmem>>) offsets(%dma_start3A_31 : memref<40xi32, #tpu.memory_space<vmem>>) semaphore(%arg11 : memref<!tpu.dma_semaphore, #tpu.memory_space<semaphore_mem>>)
      %dma_start3A_35 = arith.constant 0 : i32
      %dma_start3A_36 = arith.constant 40 : i32
      %dma_start3A_37 = arith.constant 0 : i32
      %dma_start3A_38 = tpu.memref_slice %arg8[%dma_start3A_36, %dma_start3A_37] : memref<80x128xf32, #tpu.memory_space<vmem>> -> memref<40x128xf32, #tpu.memory_space<vmem>>
      %dma_start3A_39 = arith.constant 40 : i32
      %dma_start3A_40 = tpu.memref_slice %arg7[%dma_start3A_35, %dma_start3A_39] : memref<2x80xi32, #tpu.memory_space<vmem>> -> memref<1x40xi32, #tpu.memory_space<vmem>>
      %dma_start3A_41 = tpu.memref_squeeze %dma_start3A_40 : memref<1x40xi32, #tpu.memory_space<vmem>> -> memref<40xi32, #tpu.memory_space<vmem>>
      %dma_start3A_42 = arith.constant 0 : i32
      %dma_start3A_43 = arith.constant 0 : i32
      %dma_start3A_44 = tpu.memref_slice %arg2[%dma_start3A_42, %dma_start3A_43] : memref<10000x128xf32, #tpu.memory_space<hbm>> -> memref<10000x128xf32, #tpu.memory_space<hbm>>
      tpu.enqueue_indirect_dma source(%dma_start3A_44 : memref<10000x128xf32, #tpu.memory_space<hbm>>) target(%dma_start3A_38 : memref<40x128xf32, #tpu.memory_space<vmem>>) offsets(%dma_start3A_41 : memref<40xi32, #tpu.memory_space<vmem>>) semaphore(%arg12 : memref<!tpu.dma_semaphore, #tpu.memory_space<semaphore_mem>>)
      %dma_wait3A = arith.constant 0 : i32
      %dma_wait3A_45 = arith.constant 0 : i32
      %dma_wait3A_46 = arith.constant 0 : i32
      %dma_wait3A_47 = tpu.memref_slice %arg8[%dma_wait3A_45, %dma_wait3A_46] : memref<80x128xf32, #tpu.memory_space<vmem>> -> memref<40x128xf32, #tpu.memory_space<vmem>>
      %dma_wait3A_48 = arith.constant 0 : i32
      %dma_wait3A_49 = tpu.memref_slice %arg7[%dma_wait3A, %dma_wait3A_48] : memref<2x80xi32, #tpu.memory_space<vmem>> -> memref<1x40xi32, #tpu.memory_space<vmem>>
      %dma_wait3A_50 = tpu.memref_squeeze %dma_wait3A_49 : memref<1x40xi32, #tpu.memory_space<vmem>> -> memref<40xi32, #tpu.memory_space<vmem>>
      %dma_wait3A_51 = arith.constant 0 : i32
      %dma_wait3A_52 = arith.constant 0 : i32
      %dma_wait3A_53 = tpu.memref_slice %arg2[%dma_wait3A_51, %dma_wait3A_52] : memref<10000x128xf32, #tpu.memory_space<hbm>> -> memref<10000x128xf32, #tpu.memory_space<hbm>>
      tpu.wait_indirect_dma semaphore(%arg11 : memref<!tpu.dma_semaphore, #tpu.memory_space<semaphore_mem>>) src(%dma_wait3A_53 : memref<10000x128xf32, #tpu.memory_space<hbm>>) dst(%dma_wait3A_47 : memref<40x128xf32, #tpu.memory_space<vmem>>)
      %dma_wait3A_54 = arith.constant 0 : i32
      %dma_wait3A_55 = arith.constant 40 : i32
      %dma_wait3A_56 = arith.constant 0 : i32
      %dma_wait3A_57 = tpu.memref_slice %arg8[%dma_wait3A_55, %dma_wait3A_56] : memref<80x128xf32, #tpu.memory_space<vmem>> -> memref<40x128xf32, #tpu.memory_space<vmem>>
      %dma_wait3A_58 = arith.constant 40 : i32
      %dma_wait3A_59 = tpu.memref_slice %arg7[%dma_wait3A_54, %dma_wait3A_58] : memref<2x80xi32, #tpu.memory_space<vmem>> -> memref<1x40xi32, #tpu.memory_space<vmem>>
      %dma_wait3A_60 = tpu.memref_squeeze %dma_wait3A_59 : memref<1x40xi32, #tpu.memory_space<vmem>> -> memref<40xi32, #tpu.memory_space<vmem>>
      %dma_wait3A_61 = arith.constant 0 : i32
      %dma_wait3A_62 = arith.constant 0 : i32
      %dma_wait3A_63 = tpu.memref_slice %arg2[%dma_wait3A_61, %dma_wait3A_62] : memref<10000x128xf32, #tpu.memory_space<hbm>> -> memref<10000x128xf32, #tpu.memory_space<hbm>>
      tpu.wait_indirect_dma semaphore(%arg12 : memref<!tpu.dma_semaphore, #tpu.memory_space<semaphore_mem>>) src(%dma_wait3A_63 : memref<10000x128xf32, #tpu.memory_space<hbm>>) dst(%dma_wait3A_57 : memref<40x128xf32, #tpu.memory_space<vmem>>)
      %run_scoped3A = arith.constant 1 : i32
      "tpu.region"() ({
        %run_scoped3A_64 = tpu.sem_alloc : memref<!tpu.dma_semaphore, #tpu.memory_space<semaphore_mem>>
        %dma_start3A_65 = arith.constant 0 : i32
        %dma_start3A_66 = tpu.memref_slice %arg7[%run_scoped3A, %dma_start3A_65] : memref<2x80xi32, #tpu.memory_space<vmem>> -> memref<1x80xi32, #tpu.memory_space<vmem>>
        %dma_start3A_67 = tpu.memref_squeeze %dma_start3A_66 : memref<1x80xi32, #tpu.memory_space<vmem>> -> memref<80xi32, #tpu.memory_space<vmem>>
        %dma_start3A_68 = arith.constant 0 : i32
        %dma_start3A_69 = arith.constant 0 : i32
        %dma_start3A_70 = tpu.memref_slice %arg6[%dma_start3A_68, %dma_start3A_69] : memref<10240x128xf32, #tpu.memory_space<vmem_shared>> -> memref<10240x128xf32, #tpu.memory_space<vmem_shared>>
        tpu.enqueue_indirect_dma source(%arg8 : memref<80x128xf32, #tpu.memory_space<vmem>>) target(%dma_start3A_70 : memref<10240x128xf32, #tpu.memory_space<vmem_shared>>) offsets(%dma_start3A_67 : memref<80xi32, #tpu.memory_space<vmem>>) semaphore(%run_scoped3A_64 : memref<!tpu.dma_semaphore, #tpu.memory_space<semaphore_mem>>) {add = true}
        %dma_wait3A_71 = arith.constant 0 : i32
        %dma_wait3A_72 = tpu.memref_slice %arg7[%run_scoped3A, %dma_wait3A_71] : memref<2x80xi32, #tpu.memory_space<vmem>> -> memref<1x80xi32, #tpu.memory_space<vmem>>
        %dma_wait3A_73 = tpu.memref_squeeze %dma_wait3A_72 : memref<1x80xi32, #tpu.memory_space<vmem>> -> memref<80xi32, #tpu.memory_space<vmem>>
        %dma_wait3A_74 = arith.constant 0 : i32
        %dma_wait3A_75 = arith.constant 0 : i32
        %dma_wait3A_76 = tpu.memref_slice %arg6[%dma_wait3A_74, %dma_wait3A_75] : memref<10240x128xf32, #tpu.memory_space<vmem_shared>> -> memref<10240x128xf32, #tpu.memory_space<vmem_shared>>
        tpu.wait_indirect_dma semaphore(%run_scoped3A_64 : memref<!tpu.dma_semaphore, #tpu.memory_space<semaphore_mem>>) src(%arg8 : memref<80x128xf32, #tpu.memory_space<vmem>>) dst(%dma_wait3A_76 : memref<10240x128xf32, #tpu.memory_space<vmem_shared>>)
        tpu.yield
      }) : () -> ()
    }
    %scan3A_16 = arith.constant 125 : i32
    %barrier3A_17 = arith.constant 0 : index
    tpu.barrier barrier_id(%barrier3A_17)
    %scan3A_18 = arith.constant 0 : i32
    %scan3A_19 = arith.constant 0 : i32
    %scan3A_20 = arith.constant 5 : i32
    %scan3A_21 = arith.addi %scan3A_19, %scan3A_20 : i32
    %scan3A_22 = arith.constant 1 : i32
    scf.for %scan3A_24 = %scan3A_19 to %scan3A_21 step %scan3A_22  : i32 {
      %mul3A_25 = arith.constant 128 : i32
      %mul3A_26 = arith.muli %scan3A_24, %mul3A_25 : i32
      %add3A_27 = arith.addi %mul3A_2, %mul3A_26 : i32
      %add3A_28 = arith.constant 0 : i32
      %add3A_29 = arith.addi %add3A_27, %add3A_28 : i32
      %add3A_30 = vector.broadcast %add3A_29 : i32 to vector<16xi32>
      %add3A_31 = arith.addi %iota3A, %add3A_30 : vector<16xi32>
      %swap3A = arith.constant 0 : index
      %swap3A_32 = tpu.vector_load %arg10[%swap3A] {strides = array<i32>} : memref<128xi32, #tpu.memory_space<vmem>>, vector<16xi32>,
      tpu.vector_store %arg10[%swap3A], %add3A_31 {strides = array<i32>} : memref<128xi32, #tpu.memory_space<vmem>>, vector<16xi32>,
      %add3A_33 = arith.constant 16 : i32
      %add3A_34 = arith.addi %add3A_27, %add3A_33 : i32
      %add3A_35 = vector.broadcast %add3A_34 : i32 to vector<16xi32>
      %add3A_36 = arith.addi %iota3A, %add3A_35 : vector<16xi32>
      %swap3A_37 = arith.constant 16 : index
      %swap3A_38 = tpu.vector_load %arg10[%swap3A_37] {strides = array<i32>} : memref<128xi32, #tpu.memory_space<vmem>>, vector<16xi32>,
      tpu.vector_store %arg10[%swap3A_37], %add3A_36 {strides = array<i32>} : memref<128xi32, #tpu.memory_space<vmem>>, vector<16xi32>,
      %add3A_39 = arith.constant 32 : i32
      %add3A_40 = arith.addi %add3A_27, %add3A_39 : i32
      %add3A_41 = vector.broadcast %add3A_40 : i32 to vector<16xi32>
      %add3A_42 = arith.addi %iota3A, %add3A_41 : vector<16xi32>
      %swap3A_43 = arith.constant 32 : index
      %swap3A_44 = tpu.vector_load %arg10[%swap3A_43] {strides = array<i32>} : memref<128xi32, #tpu.memory_space<vmem>>, vector<16xi32>,
      tpu.vector_store %arg10[%swap3A_43], %add3A_42 {strides = array<i32>} : memref<128xi32, #tpu.memory_space<vmem>>, vector<16xi32>,
      %add3A_45 = arith.constant 48 : i32
      %add3A_46 = arith.addi %add3A_27, %add3A_45 : i32
      %add3A_47 = vector.broadcast %add3A_46 : i32 to vector<16xi32>
      %add3A_48 = arith.addi %iota3A, %add3A_47 : vector<16xi32>
      %swap3A_49 = arith.constant 48 : index
      %swap3A_50 = tpu.vector_load %arg10[%swap3A_49] {strides = array<i32>} : memref<128xi32, #tpu.memory_space<vmem>>, vector<16xi32>,
      tpu.vector_store %arg10[%swap3A_49], %add3A_48 {strides = array<i32>} : memref<128xi32, #tpu.memory_space<vmem>>, vector<16xi32>,
      %add3A_51 = arith.constant 64 : i32
      %add3A_52 = arith.addi %add3A_27, %add3A_51 : i32
      %add3A_53 = vector.broadcast %add3A_52 : i32 to vector<16xi32>
      %add3A_54 = arith.addi %iota3A, %add3A_53 : vector<16xi32>
      %swap3A_55 = arith.constant 64 : index
      %swap3A_56 = tpu.vector_load %arg10[%swap3A_55] {strides = array<i32>} : memref<128xi32, #tpu.memory_space<vmem>>, vector<16xi32>,
      tpu.vector_store %arg10[%swap3A_55], %add3A_54 {strides = array<i32>} : memref<128xi32, #tpu.memory_space<vmem>>, vector<16xi32>,
      %add3A_57 = arith.constant 80 : i32
      %add3A_58 = arith.addi %add3A_27, %add3A_57 : i32
      %add3A_59 = vector.broadcast %add3A_58 : i32 to vector<16xi32>
      %add3A_60 = arith.addi %iota3A, %add3A_59 : vector<16xi32>
      %swap3A_61 = arith.constant 80 : index
      %swap3A_62 = tpu.vector_load %arg10[%swap3A_61] {strides = array<i32>} : memref<128xi32, #tpu.memory_space<vmem>>, vector<16xi32>,
      tpu.vector_store %arg10[%swap3A_61], %add3A_60 {strides = array<i32>} : memref<128xi32, #tpu.memory_space<vmem>>, vector<16xi32>,
      %add3A_63 = arith.constant 96 : i32
      %add3A_64 = arith.addi %add3A_27, %add3A_63 : i32
      %add3A_65 = vector.broadcast %add3A_64 : i32 to vector<16xi32>
      %add3A_66 = arith.addi %iota3A, %add3A_65 : vector<16xi32>
      %swap3A_67 = arith.constant 96 : index
      %swap3A_68 = tpu.vector_load %arg10[%swap3A_67] {strides = array<i32>} : memref<128xi32, #tpu.memory_space<vmem>>, vector<16xi32>,
      tpu.vector_store %arg10[%swap3A_67], %add3A_66 {strides = array<i32>} : memref<128xi32, #tpu.memory_space<vmem>>, vector<16xi32>,
      %add3A_69 = arith.constant 112 : i32
      %add3A_70 = arith.addi %add3A_27, %add3A_69 : i32
      %add3A_71 = vector.broadcast %add3A_70 : i32 to vector<16xi32>
      %add3A_72 = arith.addi %iota3A, %add3A_71 : vector<16xi32>
      %swap3A_73 = arith.constant 112 : index
      %swap3A_74 = tpu.vector_load %arg10[%swap3A_73] {strides = array<i32>} : memref<128xi32, #tpu.memory_space<vmem>>, vector<16xi32>,
      tpu.vector_store %arg10[%swap3A_73], %add3A_72 {strides = array<i32>} : memref<128xi32, #tpu.memory_space<vmem>>, vector<16xi32>,
      %dma_start3A = arith.constant 0 : i32
      %dma_start3A_75 = arith.constant 0 : i32
      %dma_start3A_76 = tpu.memref_slice %arg6[%dma_start3A, %dma_start3A_75] : memref<10240x128xf32, #tpu.memory_space<vmem_shared>> -> memref<10240x128xf32, #tpu.memory_space<vmem_shared>>
      tpu.enqueue_indirect_dma source(%dma_start3A_76 : memref<10240x128xf32, #tpu.memory_space<vmem_shared>>) target(%arg9 : memref<128x128xf32, #tpu.memory_space<vmem>>) offsets(%arg10 : memref<128xi32, #tpu.memory_space<vmem>>) semaphore(%arg11 : memref<!tpu.dma_semaphore, #tpu.memory_space<semaphore_mem>>)
      %dma_wait3A = arith.constant 0 : i32
      %dma_wait3A_77 = arith.constant 0 : i32
      %dma_wait3A_78 = tpu.memref_slice %arg6[%dma_wait3A, %dma_wait3A_77] : memref<10240x128xf32, #tpu.memory_space<vmem_shared>> -> memref<10240x128xf32, #tpu.memory_space<vmem_shared>>
      tpu.wait_indirect_dma semaphore(%arg11 : memref<!tpu.dma_semaphore, #tpu.memory_space<semaphore_mem>>) src(%dma_wait3A_78 : memref<10240x128xf32, #tpu.memory_space<vmem_shared>>) dst(%arg9 : memref<128x128xf32, #tpu.memory_space<vmem>>)
      %multiple_of3A = tpu.assume_multiple %add3A_27, 8 : i32
      "tpu.region"() ({
        %run_scoped3A = tpu.sem_alloc : memref<!tpu.dma_semaphore, #tpu.memory_space<semaphore_mem>>
        %dma_start3A_79 = arith.constant 0 : i32
        %dma_start3A_80 = tpu.memref_slice %arg5[%arg0, %multiple_of3A, %dma_start3A_79] : memref<2x10240x128xf32, #tpu.memory_space<hbm>> -> memref<1x128x128xf32, #tpu.memory_space<hbm>>
        %dma_start3A_81 = tpu.memref_squeeze %dma_start3A_80 : memref<1x128x128xf32, #tpu.memory_space<hbm>> -> memref<128x128xf32, #tpu.memory_space<hbm>>
        %dma_start3A_82 = arith.constant 0 : i32
        %dma_start3A_83 = tpu.memref_slice %arg5[%arg0, %multiple_of3A, %dma_start3A_82] : memref<2x10240x128xf32, #tpu.memory_space<hbm>> -> memref<1x128x128xf32, #tpu.memory_space<hbm>>
        %dma_start3A_84 = tpu.memref_squeeze %dma_start3A_83 : memref<1x128x128xf32, #tpu.memory_space<hbm>> -> memref<128x128xf32, #tpu.memory_space<hbm>>
        tpu.enqueue_dma source(%arg9 : memref<128x128xf32, #tpu.memory_space<vmem>>) target(%dma_start3A_84 : memref<128x128xf32, #tpu.memory_space<hbm>>) target_semaphore(%run_scoped3A : memref<!tpu.dma_semaphore, #tpu.memory_space<semaphore_mem>>)
        %dma_wait3A_85 = arith.constant 0 : i32
        %dma_wait3A_86 = tpu.memref_slice %arg5[%arg0, %multiple_of3A, %dma_wait3A_85] : memref<2x10240x128xf32, #tpu.memory_space<hbm>> -> memref<1x128x128xf32, #tpu.memory_space<hbm>>
        %dma_wait3A_87 = tpu.memref_squeeze %dma_wait3A_86 : memref<1x128x128xf32, #tpu.memory_space<hbm>> -> memref<128x128xf32, #tpu.memory_space<hbm>>
        %dma_wait3A_88 = arith.constant 0 : i32
        %dma_wait3A_89 = tpu.memref_slice %arg5[%arg0, %multiple_of3A, %dma_wait3A_88] : memref<2x10240x128xf32, #tpu.memory_space<hbm>> -> memref<1x128x128xf32, #tpu.memory_space<hbm>>
        %dma_wait3A_90 = tpu.memref_squeeze %dma_wait3A_89 : memref<1x128x128xf32, #tpu.memory_space<hbm>> -> memref<128x128xf32, #tpu.memory_space<hbm>>
        tpu.wait_dma2 semaphore(%run_scoped3A : memref<!tpu.dma_semaphore, #tpu.memory_space<semaphore_mem>>) src(%arg9 : memref<128x128xf32, #tpu.memory_space<vmem>>) dst(%dma_wait3A_90 : memref<128x128xf32, #tpu.memory_space<hbm>>)
        tpu.yield
      }) : () -> ()
    }
    %scan3A_23 = arith.constant 5 : i32
    return
  }
}

module attributes {stable_mosaic.version = 14 : i64} {
  func.func @_mm_body(%arg0: i32, %arg1: memref<512x128xf32, #tpu.memory_space<vmem>>, %arg2: memref<128x128xf32, #tpu.memory_space<vmem>>, %arg3: memref<512x128xf32, #tpu.memory_space<vmem>>) attributes {dimension_semantics = [#tpu.dimension_semantics<arbitrary>], iteration_bounds = array<i64: 20>, scalar_prefetch = 0 : i64, scratch_operands = 0 : i64, tpu.core_type = #tpu.core_type<tc>, window_params = [{transform_indices = @transform_0, window_bounds = array<i64: 512, 128>}, {pipeline_mode = #tpu.pipeline_mode<synchronous>, transform_indices = @transform_1, window_bounds = array<i64: 128, 128>}, {transform_indices = @transform_2, window_bounds = array<i64: 512, 128>}]} {
    %get3A = arith.constant 0 : index
    %get3A_0 = arith.constant 0 : index
    %get3A_1 = vector.load %arg1[%get3A, %get3A_0] : memref<512x128xf32, #tpu.memory_space<vmem>>, vector<512x128xf32>
    %get3A_2 = arith.constant 0 : index
    %get3A_3 = arith.constant 0 : index
    %get3A_4 = vector.load %arg2[%get3A_2, %get3A_3] : memref<128x128xf32, #tpu.memory_space<vmem>>, vector<128x128xf32>
    %dot_general3A = arith.constant dense<0.000000e+00> : vector<512x128xf32>
    %dot_general3A_5 = tpu.matmul %get3A_1, %get3A_4, %dot_general3A {dimension_numbers = #tpu.dot_dimension_numbers<[1], [0], [0], [1], [0, 0, 1, 1], [], []>, precision = #tpu.contract_precision<fp32>, transpose_lhs_hint = false} : vector<512x128xf32>, vector<128x128xf32>, vector<512x128xf32> -> vector<512x128xf32>
    %swap3A = arith.constant 0 : index
    %swap3A_6 = arith.constant 0 : index
    %swap3A_7 = vector.load %arg3[%swap3A, %swap3A_6] : memref<512x128xf32, #tpu.memory_space<vmem>>, vector<512x128xf32>
    tpu.vector_store %arg3[%swap3A, %swap3A_6], %dot_general3A_5 {strides = array<i32>} : memref<512x128xf32, #tpu.memory_space<vmem>>, vector<512x128xf32>,
    return
  }
  func.func @transform_0(%arg0: i32) -> (i32, i32) {
    %c0_i32 = arith.constant 0 : i32
    %c0_i32_0 = arith.constant 0 : i32
    return %arg0, %c0_i32 : i32, i32
  }
  func.func @transform_1(%arg0: i32) -> (i32, i32) {
    %c0_i32 = arith.constant 0 : i32
    %c0_i32_0 = arith.constant 0 : i32
    %c0_i32_1 = arith.constant 0 : i32
    return %c0_i32, %c0_i32_0 : i32, i32
  }
  func.func @transform_2(%arg0: i32) -> (i32, i32) {
    %c0_i32 = arith.constant 0 : i32
    %c0_i32_0 = arith.constant 0 : i32
    return %arg0, %c0_i32 : i32, i32
  }
}

module attributes {stable_mosaic.version = 14 : i64} {
  func.func @_combine_body(%arg0: i32, %arg1: memref<512x128xf32, #tpu.memory_space<vmem>>, %arg2: memref<128x128xf32, #tpu.memory_space<vmem>>, %arg3: memref<1x128xf32, #tpu.memory_space<vmem>>, %arg4: memref<512x128xf32, #tpu.memory_space<vmem>>, %arg5: memref<512x128xf32, #tpu.memory_space<vmem>>, %arg6: memref<32x512xf32, #tpu.memory_space<vmem>>, %arg7: memref<512x128xf32, #tpu.memory_space<vmem>>) attributes {dimension_semantics = [#tpu.dimension_semantics<arbitrary>], iteration_bounds = array<i64: 20>, scalar_prefetch = 0 : i64, scratch_operands = 0 : i64, tpu.core_type = #tpu.core_type<tc>, window_params = [{transform_indices = @transform_0, window_bounds = array<i64: 512, 128>}, {pipeline_mode = #tpu.pipeline_mode<synchronous>, transform_indices = @transform_1, window_bounds = array<i64: 128, 128>}, {pipeline_mode = #tpu.pipeline_mode<synchronous>, transform_indices = @transform_2, window_bounds = array<i64: 1, 128>}, {transform_indices = @transform_3, window_bounds = array<i64: 512, 128>}, {transform_indices = @transform_4, window_bounds = array<i64: 512, 128>}, {transform_indices = @transform_5, window_bounds = array<i64: 32, 512>}, {transform_indices = @transform_6, window_bounds = array<i64: 512, 128>}]} {
    %get3A = arith.constant 0 : index
    %get3A_0 = arith.constant 0 : index
    %get3A_1 = vector.load %arg6[%get3A, %get3A_0] : memref<32x512xf32, #tpu.memory_space<vmem>>, vector<32x512xf32>
    %reduce_sum3A = arith.constant dense<0.000000e+00> : vector<512xf32>
    %reduce_sum3A_2 = vector.multi_reduction <add>, %get3A_1, %reduce_sum3A [0] : vector<32x512xf32> to vector<512xf32>
    %broadcast_in_dim3A = vector.shape_cast %reduce_sum3A_2 : vector<512xf32> to vector<512x1xf32>
    %max3A = arith.constant 1.000000e+00 : f32
    %max3A_3 = vector.broadcast %max3A : f32 to vector<512x1xf32>
    %max3A_4 = arith.maximumf %broadcast_in_dim3A, %max3A_3 : vector<512x1xf32>
    %div3A = arith.constant 1.000000e+00 : f32
    %div3A_5 = vector.broadcast %div3A : f32 to vector<512x1xf32>
    %div3A_6 = arith.divf %div3A_5, %max3A_4 : vector<512x1xf32>
    %get3A_7 = arith.constant 0 : index
    %get3A_8 = arith.constant 0 : index
    %get3A_9 = vector.load %arg1[%get3A_7, %get3A_8] : memref<512x128xf32, #tpu.memory_space<vmem>>, vector<512x128xf32>
    %get3A_10 = arith.constant 0 : index
    %get3A_11 = arith.constant 0 : index
    %get3A_12 = vector.load %arg2[%get3A_10, %get3A_11] : memref<128x128xf32, #tpu.memory_space<vmem>>, vector<128x128xf32>
    %dot_general3A = arith.constant dense<0.000000e+00> : vector<512x128xf32>
    %dot_general3A_13 = tpu.matmul %get3A_9, %get3A_12, %dot_general3A {dimension_numbers = #tpu.dot_dimension_numbers<[1], [0], [0], [1], [0, 0, 1, 1], [], []>, precision = #tpu.contract_precision<fp32>, transpose_lhs_hint = false} : vector<512x128xf32>, vector<128x128xf32>, vector<512x128xf32> -> vector<512x128xf32>
    %get3A_14 = arith.constant 0 : index
    %get3A_15 = arith.constant 0 : index
    %get3A_16 = vector.load %arg3[%get3A_14, %get3A_15] : memref<1x128xf32, #tpu.memory_space<vmem>>, vector<1x128xf32>
    %add3A = vector.broadcast %get3A_16 : vector<1x128xf32> to vector<512x128xf32>
    %add3A_17 = arith.addf %dot_general3A_13, %add3A : vector<512x128xf32>
    %get3A_18 = arith.constant 0 : index
    %get3A_19 = arith.constant 0 : index
    %get3A_20 = vector.load %arg4[%get3A_18, %get3A_19] : memref<512x128xf32, #tpu.memory_space<vmem>>, vector<512x128xf32>
    %get3A_21 = arith.constant 0 : index
    %get3A_22 = arith.constant 0 : index
    %get3A_23 = vector.load %arg5[%get3A_21, %get3A_22] : memref<512x128xf32, #tpu.memory_space<vmem>>, vector<512x128xf32>
    %add3A_24 = arith.addf %get3A_20, %get3A_23 : vector<512x128xf32>
    %mul3A = vector.broadcast %div3A_6 : vector<512x1xf32> to vector<512x128xf32>
    %mul3A_25 = arith.mulf %add3A_24, %mul3A : vector<512x128xf32>
    %add3A_26 = arith.addf %add3A_17, %mul3A_25 : vector<512x128xf32>
    %max3A_27 = arith.constant 0.000000e+00 : f32
    %max3A_28 = vector.broadcast %max3A_27 : f32 to vector<512x128xf32>
    %max3A_29 = arith.maximumf %add3A_26, %max3A_28 : vector<512x128xf32>
    %swap3A = arith.constant 0 : index
    %swap3A_30 = arith.constant 0 : index
    %swap3A_31 = vector.load %arg7[%swap3A, %swap3A_30] : memref<512x128xf32, #tpu.memory_space<vmem>>, vector<512x128xf32>
    tpu.vector_store %arg7[%swap3A, %swap3A_30], %max3A_29 {strides = array<i32>} : memref<512x128xf32, #tpu.memory_space<vmem>>, vector<512x128xf32>,
    return
  }
  func.func @transform_0(%arg0: i32) -> (i32, i32) {
    %c0_i32 = arith.constant 0 : i32
    %c0_i32_0 = arith.constant 0 : i32
    return %arg0, %c0_i32 : i32, i32
  }
  func.func @transform_1(%arg0: i32) -> (i32, i32) {
    %c0_i32 = arith.constant 0 : i32
    %c0_i32_0 = arith.constant 0 : i32
    %c0_i32_1 = arith.constant 0 : i32
    return %c0_i32, %c0_i32_0 : i32, i32
  }
  func.func @transform_2(%arg0: i32) -> (i32, i32) {
    %c0_i32 = arith.constant 0 : i32
    %c0_i32_0 = arith.constant 0 : i32
    %c0_i32_1 = arith.constant 0 : i32
    return %c0_i32, %c0_i32_0 : i32, i32
  }
  func.func @transform_3(%arg0: i32) -> (i32, i32) {
    %c0_i32 = arith.constant 0 : i32
    %c0_i32_0 = arith.constant 0 : i32
    return %arg0, %c0_i32 : i32, i32
  }
  func.func @transform_4(%arg0: i32) -> (i32, i32) {
    %c0_i32 = arith.constant 0 : i32
    %c0_i32_0 = arith.constant 0 : i32
    return %arg0, %c0_i32 : i32, i32
  }
  func.func @transform_5(%arg0: i32) -> (i32, i32) {
    %c0_i32 = arith.constant 0 : i32
    %c0_i32_0 = arith.constant 0 : i32
    return %c0_i32, %arg0 : i32, i32
  }
  func.func @transform_6(%arg0: i32) -> (i32, i32) {
    %c0_i32 = arith.constant 0 : i32
    %c0_i32_0 = arith.constant 0 : i32
    return %arg0, %c0_i32 : i32, i32
  }
}

module attributes {stable_mosaic.version = 14 : i64} {
  func.func @_combine_body(%arg0: i32, %arg1: memref<512x128xf32, #tpu.memory_space<vmem>>, %arg2: memref<128x128xf32, #tpu.memory_space<vmem>>, %arg3: memref<1x128xf32, #tpu.memory_space<vmem>>, %arg4: memref<512x128xf32, #tpu.memory_space<vmem>>, %arg5: memref<512x128xf32, #tpu.memory_space<vmem>>, %arg6: memref<32x512xf32, #tpu.memory_space<vmem>>, %arg7: memref<512x128xf32, #tpu.memory_space<vmem>>) attributes {dimension_semantics = [#tpu.dimension_semantics<arbitrary>], iteration_bounds = array<i64: 20>, scalar_prefetch = 0 : i64, scratch_operands = 0 : i64, tpu.core_type = #tpu.core_type<tc>, window_params = [{transform_indices = @transform_0, window_bounds = array<i64: 512, 128>}, {pipeline_mode = #tpu.pipeline_mode<synchronous>, transform_indices = @transform_1, window_bounds = array<i64: 128, 128>}, {pipeline_mode = #tpu.pipeline_mode<synchronous>, transform_indices = @transform_2, window_bounds = array<i64: 1, 128>}, {transform_indices = @transform_3, window_bounds = array<i64: 512, 128>}, {transform_indices = @transform_4, window_bounds = array<i64: 512, 128>}, {transform_indices = @transform_5, window_bounds = array<i64: 32, 512>}, {transform_indices = @transform_6, window_bounds = array<i64: 512, 128>}]} {
    %get3A = arith.constant 0 : index
    %get3A_0 = arith.constant 0 : index
    %get3A_1 = vector.load %arg6[%get3A, %get3A_0] : memref<32x512xf32, #tpu.memory_space<vmem>>, vector<32x512xf32>
    %reduce_sum3A = arith.constant dense<0.000000e+00> : vector<512xf32>
    %reduce_sum3A_2 = vector.multi_reduction <add>, %get3A_1, %reduce_sum3A [0] : vector<32x512xf32> to vector<512xf32>
    %broadcast_in_dim3A = vector.shape_cast %reduce_sum3A_2 : vector<512xf32> to vector<512x1xf32>
    %max3A = arith.constant 1.000000e+00 : f32
    %max3A_3 = vector.broadcast %max3A : f32 to vector<512x1xf32>
    %max3A_4 = arith.maximumf %broadcast_in_dim3A, %max3A_3 : vector<512x1xf32>
    %div3A = arith.constant 1.000000e+00 : f32
    %div3A_5 = vector.broadcast %div3A : f32 to vector<512x1xf32>
    %div3A_6 = arith.divf %div3A_5, %max3A_4 : vector<512x1xf32>
    %get3A_7 = arith.constant 0 : index
    %get3A_8 = arith.constant 0 : index
    %get3A_9 = vector.load %arg1[%get3A_7, %get3A_8] : memref<512x128xf32, #tpu.memory_space<vmem>>, vector<512x128xf32>
    %get3A_10 = arith.constant 0 : index
    %get3A_11 = arith.constant 0 : index
    %get3A_12 = vector.load %arg2[%get3A_10, %get3A_11] : memref<128x128xf32, #tpu.memory_space<vmem>>, vector<128x128xf32>
    %dot_general3A = arith.constant dense<0.000000e+00> : vector<512x128xf32>
    %dot_general3A_13 = tpu.matmul %get3A_9, %get3A_12, %dot_general3A {dimension_numbers = #tpu.dot_dimension_numbers<[1], [0], [0], [1], [0, 0, 1, 1], [], []>, precision = #tpu.contract_precision<fp32>, transpose_lhs_hint = false} : vector<512x128xf32>, vector<128x128xf32>, vector<512x128xf32> -> vector<512x128xf32>
    %get3A_14 = arith.constant 0 : index
    %get3A_15 = arith.constant 0 : index
    %get3A_16 = vector.load %arg3[%get3A_14, %get3A_15] : memref<1x128xf32, #tpu.memory_space<vmem>>, vector<1x128xf32>
    %add3A = vector.broadcast %get3A_16 : vector<1x128xf32> to vector<512x128xf32>
    %add3A_17 = arith.addf %dot_general3A_13, %add3A : vector<512x128xf32>
    %get3A_18 = arith.constant 0 : index
    %get3A_19 = arith.constant 0 : index
    %get3A_20 = vector.load %arg4[%get3A_18, %get3A_19] : memref<512x128xf32, #tpu.memory_space<vmem>>, vector<512x128xf32>
    %get3A_21 = arith.constant 0 : index
    %get3A_22 = arith.constant 0 : index
    %get3A_23 = vector.load %arg5[%get3A_21, %get3A_22] : memref<512x128xf32, #tpu.memory_space<vmem>>, vector<512x128xf32>
    %add3A_24 = arith.addf %get3A_20, %get3A_23 : vector<512x128xf32>
    %mul3A = vector.broadcast %div3A_6 : vector<512x1xf32> to vector<512x128xf32>
    %mul3A_25 = arith.mulf %add3A_24, %mul3A : vector<512x128xf32>
    %add3A_26 = arith.addf %add3A_17, %mul3A_25 : vector<512x128xf32>
    %swap3A = arith.constant 0 : index
    %swap3A_27 = arith.constant 0 : index
    %swap3A_28 = vector.load %arg7[%swap3A, %swap3A_27] : memref<512x128xf32, #tpu.memory_space<vmem>>, vector<512x128xf32>
    tpu.vector_store %arg7[%swap3A, %swap3A_27], %add3A_26 {strides = array<i32>} : memref<512x128xf32, #tpu.memory_space<vmem>>, vector<512x128xf32>,
    return
  }
  func.func @transform_0(%arg0: i32) -> (i32, i32) {
    %c0_i32 = arith.constant 0 : i32
    %c0_i32_0 = arith.constant 0 : i32
    return %arg0, %c0_i32 : i32, i32
  }
  func.func @transform_1(%arg0: i32) -> (i32, i32) {
    %c0_i32 = arith.constant 0 : i32
    %c0_i32_0 = arith.constant 0 : i32
    %c0_i32_1 = arith.constant 0 : i32
    return %c0_i32, %c0_i32_0 : i32, i32
  }
  func.func @transform_2(%arg0: i32) -> (i32, i32) {
    %c0_i32 = arith.constant 0 : i32
    %c0_i32_0 = arith.constant 0 : i32
    %c0_i32_1 = arith.constant 0 : i32
    return %c0_i32, %c0_i32_0 : i32, i32
  }
  func.func @transform_3(%arg0: i32) -> (i32, i32) {
    %c0_i32 = arith.constant 0 : i32
    %c0_i32_0 = arith.constant 0 : i32
    return %arg0, %c0_i32 : i32, i32
  }
  func.func @transform_4(%arg0: i32) -> (i32, i32) {
    %c0_i32 = arith.constant 0 : i32
    %c0_i32_0 = arith.constant 0 : i32
    return %arg0, %c0_i32 : i32, i32
  }
  func.func @transform_5(%arg0: i32) -> (i32, i32) {
    %c0_i32 = arith.constant 0 : i32
    %c0_i32_0 = arith.constant 0 : i32
    return %c0_i32, %arg0 : i32, i32
  }
  func.func @transform_6(%arg0: i32) -> (i32, i32) {
    %c0_i32 = arith.constant 0 : i32
    %c0_i32_0 = arith.constant 0 : i32
    return %arg0, %c0_i32 : i32, i32
  }
}

</mosaic_0001>

<sc_bundles>
// kernel: kernel.11.cloned.1.call-start
scs
__scs_entry_jumppad:
0x0: {  	(pc) =	sbr.rel $0x88, $3  }
0x1: {  	(tag) =	ssettag $0x0;
	lr =	simm.s32 $0x1  }
0x2: {  	[smem:$0x3F96] =	sst lr;
	_ =	strace $0xD0000000  }
0x3: {  	_ = 	snop  }
0x4: {  	_ = 	snop  }
0x5: {  	_ = 	snop  }
0x6: {  	_ = 	snop  }
0x7: {  	_ = 	snop  }
__scs_overlays_trampoline_lowered:
0x8: {  	[smem:$0x3FA5] =	sst s0  }
0x9: {  	[smem:$0x3FA6] =	sst s1  }
0xa: {  	[smem:$0x3FA7] =	sst s2  }
0xb: {  	[smem:$0x3FA8] =	sst s3  }
0xc: {  	[smem:$0x3FA9] =	sst s4  }
0xd: {  	[smem:$0x3FAA] =	sst s5  }
0xe: {  	[smem:$0x3FAB] =	sst s6  }
0xf: {  	[smem:$0x3FAC] =	sst s7  }
0x10: {  	[smem:$0x3FAD] =	sst s8  }
0x11: {  	[smem:$0x3FAE] =	sst s9;
	s0 =	simm.s32 @!p0 $0x0  }
0x12: {  	s1 =	sld [smem:$0x3F94];
	s0 =	simm.s32 @p0 $0x1  }
0x13: {  	[smem:$0x3FAF] =	sst s0;
	s0 =	simm.s32 @!p1 $0x0  }
0x14: {  	s2 =	sld [smem:$0x3F93];
	s0 =	simm.s32 @p1 $0x1  }
0x15: {  	[smem:$0x3FB0] =	sst s0;
	s0 =	simm.s32 @!p2 $0x0  }
0x16: {  	s3 =	sld [smem:$0x3FDB];
	s0 =	simm.s32 @p2 $0x1  }
0x17: {  	s4 =	simm.s32 $0x1BF5;
	[smem:$0x3FB2] =	sst s0  }
0x18: {  	s0 =	sld [smem:$0x3F95];
	_ =	swait.ge [sflag:s4], $0x0  }
0x19: {  	s7 =	sld [smem:$0x3F96]  }
0x1a: {  	s8 =	sadd.s32 $0xFFFFE003, lr  }
0x1b: {  	s9 =	sadd.s32 $0xFFFFFEF7, lr;
	s5 =	simm.s32 $0xFFFFFFFF;
	p2 =	slt.u32 s8, $0xFFFFF086  }
0x1c: {  	p1 =	slt.u32 s9, $0xF7A;
	s5 =	simm.s32 @!p2 $0x0  }
0x1d: {  	s5 =	simm.s32 @p1 $0x1;
	p0 =	seq.s32 s7, s2  }
0x1e: {  	s7 =	smul.u32 @!p0 $0xF7A, s2;
	p2 =	seq.s32 @!p0 s5, $0x0  }
0x1f: {  	s9 =	smul.u32 $0xF7A, s1;
	s8 =	simm.s32 @!p0 $0x1BF5;
	p2 =	por !p2, p0  }
0x20: {  	[sflag:s8] =	ssyncset.s32 @!p0 $0xFFFFF086;
	s6 =	sadd.s32 @!p0 s3, s7;
	s7 =	simm.s32 @!p0 $0x108  }
0x21: {  	s3 =	sadd.s32 s3, s9;
	s6 =	sadd.s32 @!p0 $0x88, s6;
	s7 =	simm.s32 @p2 $0x1082  }
0x22: {  	[simem:s7], [sflag:s8] =	dma.local @!p0 [hbm:s6], $0xF7A  }
0x23: {  	s9 =	sor.u32 $0xD0000000, s2;
	s6 =	simm.s32 $0x108;
	_ =	swait.ge @!p0 [sflag:s8], $0x0  }
0x24: {  	s3 =	sadd.s32 $0x88, s3;
	s6 =	simm.s32 @!p1 $0x1082;
	[sflag:s4] =	ssyncset.s32 $0xFFFFF086  }
0x25: {  	[simem:s6], [sflag:s4] =	dma.local [hbm:s3], $0xF7A  }
0x26: {  	[smem:$0x3F96] =	sst s1;
	(tag) =	ssettag s2;
	_ =	strace s9  }
0x27: {  	s1 =	sld [smem:$0x3FA6]  }
0x28: {  	s2 =	sld [smem:$0x3FA7]  }
0x29: {  	s4 =	sld [smem:$0x3FA9]  }
0x2a: {  	p0 =	seq.s32 s5, $0x0;
	s5 =	sld [smem:$0x3FAA]  }
0x2b: {  	s6 =	sld [smem:$0x3FAB]  }
0x2c: {  	s7 =	sld [smem:$0x3FAC]  }
0x2d: {  	s3 =	simm.s32 $0x108;
	s8 =	sld [smem:$0x3FAD]  }
0x2e: {  	s3 =	simm.s32 @!p0 $0x1082;
	s9 =	sld [smem:$0x3FAE]  }
0x2f: {  	lr =	sadd.s32 s0, s3;
	s0 =	sld [smem:$0x3FA5]  }
0x30: {  	s3 =	sld [smem:$0x3FA8]  }
0x31: {  	[smem:$0x3FB1] =	sst s10  }
0x32: {  	s10 =	sld [smem:$0x3FAF];
	_ =	sdelay $0x3  }
0x33: {  	p0 =	seq.s32 s10, $0x1;
	s10 =	sld [smem:$0x3FB1];
	_ =	sdelay $0x3  }
0x34: {  	[smem:$0x3FB1] =	sst s10  }
0x35: {  	s10 =	sld [smem:$0x3FB0];
	_ =	sdelay $0x3  }
0x36: {  	p1 =	seq.s32 s10, $0x1;
	s10 =	sld [smem:$0x3FB1];
	_ =	sdelay $0x3  }
0x37: {  	[smem:$0x3FB1] =	sst s10  }
0x38: {  	s10 =	sld [smem:$0x3FB2]  }
0x39: {  	_ = 	snop;
	(pc) =	sbr.ind lr, $3  }
0x3a: {  	_ = 	snop  }
0x3b: {  	_ = 	snop  }
0x3c: {  	p2 =	seq.s32 s10, $0x1;
	s10 =	sld [smem:$0x3FB1]  }
0x3d: {  	_ =	shalt  }
0x3e: {  	_ =	shalt  }
0x3f: {  	_ =	shalt  }
0x40: {  	_ =	shalt  }
0x41: {  	_ =	shalt  }
0x42: {  	_ =	shalt  }
0x43: {  	_ =	shalt  }
0x44: {  	_ =	shalt  }
0x45: {  	_ =	shalt  }
0x46: {  	_ =	shalt  }
0x47: {  	_ =	shalt  }
0x48: {  	_ =	shalt  }
0x49: {  	_ =	shalt  }
0x4a: {  	_ =	shalt  }
0x4b: {  	_ =	shalt  }
0x4c: {  	_ =	shalt  }
0x4d: {  	_ =	shalt  }
0x4e: {  	_ =	shalt  }
0x4f: {  	_ =	shalt  }
0x50: {  	_ =	shalt  }
0x51: {  	_ =	shalt  }
0x52: {  	_ =	shalt  }
0x53: {  	_ =	shalt  }
0x54: {  	_ =	shalt  }
0x55: {  	_ =	shalt  }
0x56: {  	_ =	shalt  }
0x57: {  	_ =	shalt  }
0x58: {  	_ =	shalt  }
0x59: {  	_ =	shalt  }
0x5a: {  	_ =	shalt  }
0x5b: {  	_ =	shalt  }
0x5c: {  	_ =	shalt  }
0x5d: {  	_ =	shalt  }
0x5e: {  	_ =	shalt  }
0x5f: {  	_ =	shalt  }
0x60: {  	_ =	shalt  }
0x61: {  	_ =	shalt  }
0x62: {  	_ =	shalt  }
0x63: {  	_ =	shalt  }
0x64: {  	_ =	shalt  }
0x65: {  	_ =	shalt  }
0x66: {  	_ =	shalt  }
0x67: {  	_ =	shalt  }
0x68: {  	_ =	shalt  }
0x69: {  	_ =	shalt  }
0x6a: {  	_ =	shalt  }
0x6b: {  	_ =	shalt  }
0x6c: {  	_ =	shalt  }
0x6d: {  	_ =	shalt  }
0x6e: {  	_ =	shalt  }
0x6f: {  	_ =	shalt  }
0x70: {  	_ =	shalt  }
0x71: {  	_ =	shalt  }
0x72: {  	_ =	shalt  }
0x73: {  	_ =	shalt  }
0x74: {  	_ =	shalt  }
0x75: {  	_ =	shalt  }
0x76: {  	_ =	shalt  }
0x77: {  	_ =	shalt  }
0x78: {  	_ =	shalt  }
0x79: {  	_ =	shalt  }
0x7a: {  	_ =	shalt  }
0x7b: {  	_ =	shalt  }
0x7c: {  	_ =	shalt  }
0x7d: {  	_ =	shalt  }
0x7e: {  	_ =	shalt  }
0x7f: {  	_ =	shalt  }
0x80: {  	_ =	shalt  }
0x81: {  	_ =	shalt  }
0x82: {  	_ =	shalt  }
0x83: {  	_ =	shalt  }
0x84: {  	_ =	shalt  }
0x85: {  	_ =	shalt  }
0x86: {  	_ =	shalt  }
0x87: {  	_ =	shalt  }
.Lfunc_end0:
.L_simem_size_0:
called_computation_lowered:
.L_overlay_start_0:
0x88: {  	s2 =	sld [smem:$0x3FD9]  }
0x89: {  	s3 =	sld [smem:$0x3FFE];
	_ =	sdelay $0x1  }
0x8a: {  	s1 =	srdreg.scid  }
0x8b: {  	s0 =	sand.u32 $0x1, s1  }
0x8c: {  	s17 =	sshll.u32 s0, $0xA;
	s2 =	sadd.s32 s3, s2  }
0x8d: {  	s2 =	sadd.s32 s2, s17  }
0x8e: {  	[smem:$0x3FBD] =	sst s2  }
0x8f: {  	_ = 	snop  }
0x90: {  	s2 =	sld [smem:$0x3FD0];
	(tm) =	ssettm $0x1  }
0x91: {  	s18 =	sld [smem:$0x3FFB];
	_ =	sdelay $0x3  }
0x92: {  	_ =	strace s18  }
0x93: {  	s3 =	sld [smem:$0x3FFC];
	_ =	sdelay $0x3  }
0x94: {  	_ =	strace s3  }
0x95: {  	s3 =	sld [smem:$0x3FFD];
	_ =	sdelay $0x3  }
0x96: {  	_ =	strace s3  }
0x97: {  	_ =	strace $0x8FFFFFFF  }
0x98: {  	s19 =	sld [smem:$0x3FDB];
	_ =	sdelay $0x1  }
0x99: {  	s4 =	simm.s32 $_scs_section_size  }
0x9a: {  	s5 =	simm.s32 $_size__tile_overlayer_lowered;
	s6 =	simm.s32 $_tile_overlayer_lowered  }
0x9b: {  	s22 =	simm.s32 $0x1BFF;
	s21 =	sshll.u32 s6, $0x1;
	s3 =	sadd.s32 s4, s19  }
0x9c: {  	s7 =	simm.s32 $0x0;
	s20 =	sshll.u32 s5, $0x1;
	s5 =	sadd.s32 s21, s3  }
0x9d: {  	[timem:s7], [sflag:s22] =	dma.local [hbm:s5], s20  }
0x9e: {  	_ =	swait.ge [sflag:s22], s20  }
0x9f: {  	s4 =	ssub.s32 $0x0, s20;
	[sflag:s22] =	ssyncset.done $0x0  }
0xa0: {  	[sflag:s22] =	ssyncadd.s32 s4;
	_ =	sdelay $0x1  }
0xa1: {  	s23 =	simm.s32 $0x1B8B  }
0xa2: {  	_ =	swait.ge [sflag:s23], $0x1  }
0xa3: {  	[sflag:s23] =	ssyncset.done $0x0  }
0xa4: {  	s25 =	simm.s32 $0x1B8E;
	s24 =	sld [smem:$0x3FFE];
	[sflag:s23] =	ssyncadd.s32 $0xFFFFFFFF  }
0xa5: {  	s26 =	simm.s32 $execute0_lowered;
	[smem:$0x3FD2] =	sst s25  }
0xa6: {  	s5 =	sshll.u32 s26, $0x1;
	_ =	strace $0x80000046;
	[dreg:$0x1] =	wrdreg $0xFFFFFFFF  }
0xa7: {  	s28 =	simm.s32 $_size_execute0_lowered;
	s3 =	sadd.s32 s3, s5;
	[dreg:$0x0] =	wrdreg $0x0  }
0xa8: {  	s5 =	sshll.u32 s28, $0x1;
	[dreg:$0x2] =	wrdreg s3  }
0xa9: {  	[dreg:$0x3] =	wrdreg s5  }
0xaa: {  	[dreg:$0x4] =	wrdreg $0xC0  }
0xab: {  	_ =	task [dreg:s7], $0x5FFFF  }
0xac: {  	[dreg:$0x1] =	wrdreg $0xFFFFFFFF  }
0xad: {  	[dreg:$0x0] =	wrdreg $0x60  }
0xae: {  	[dreg:$0x2] =	wrdreg s24  }
0xaf: {  	[dreg:$0x3] =	wrdreg s2  }
0xb0: {  	[dreg:$0x4] =	wrdreg $0x0  }
0xb1: {  	[dreg:$0x5] =	wrdreg $0x9  }
0xb2: {  	_ =	task.clear_ibuf [dreg:s7], $0x6FFFF;
	_ =	strace $0x90000046  }
0xb3: {  	s29 =	simm.s32 $0x9;
	_ =	strace $0x80000048  }
0xb4: {  	_ =	swait.ge [sflag:s29], $0x1  }
0xb5: {  	[sflag:s29] =	ssyncadd.s32 $0xFFFFFFFF  }
0xb6: {  	_ =	strace $0x90000048  }
0xb7: {  	_ =	sfence  }
0xb8: {  	s30 =	sld [smem:$0x0];
	_ =	sdelay $0x2  }
0xb9: {  	s31 =	sshll.u32 s1, $0xD;
	s1 =	sshrl.u32 s1, $0x2  }
0xba: {  	s3 =	sand.u32 $0x4000, s31;
	s1 =	sadd.s32 s1, s30  }
0xbb: {  	s0 =	sor.u32 s3, s0;
	s1 =	sshll.u32 s1, $0x11  }
0xbc: {  	s0 =	sor.u32 s1, s0  }
0xbd: {  	s0 =	sadd.s32 $0x8F2B, s0  }
0xbe: {  	[sflag:s0] =	ssyncadd.remote.s32 $0x1  }
0xbf: {  	_ =	sfence.sel $0xFFFF  }
0xc0: {  	[dreg:$0x0] =	wrdreg $0xFFFFFFFF;
	(pc) =	sbr.abs _section_cstart, $3  }
0xc1: {  	[dreg:$0x1] =	wrdreg $0xFFFFFFFF  }
0xc2: {  	_ =	task.clear_ibuf [dreg:s7], $0x2FFFF;
	_ =	strace $0x9FFFFFFF  }
0xc3: {  	(tm) =	ssettm $0x7FFFFFFF  }
tec
execute0_lowered:
.L_overlay_start_1:
0x0: {  	(tag) =	ssettag $0x1  }
0x1: {  	s7 =	rddreg [dreg:$0x0]  }
0x2: {  	s8 =	rddreg [dreg:$0x1];
	s0 =	stileid.u32  }
0x3: {  	s1 =	srdreg.scid;
	s2 =	rddreg [dreg:$0x2];
	s3 =	simm.s32 $0x0  }
0x4: {  	s15 =	simm.s32 $0x80;
	s16 =	simm.s32 $0x1A900;
	s17 =	simm.s32 $0x14000  }
0x5: {  	s18 =	simm.s32 $0x28;
	s19 =	simm.s32 $0x14100;
	s28 =	simm.s32 $0x0  }
0x6: {  	s5 =	smul.u32 $0x1F40, s0;
	s9 =	sand.u32 $0x1, s1;
	[smem:$0x7FF] =	sst s3  }
0x7: {  	s11 =	smul.u32 $0x14000, s0;
	s4 =	sadd.s32 $0x22200, s7;
	s20 =	sadd.s32 $0x49400, s7  }
0x8: {  	s21 =	sadd.s32 $0x49C00, s7;
	s22 =	sshrl.u32 s0, $0x2;
	s13 =	sshll.u32 s0, $0x8  }
0x9: {  	s10 =	smul.u32 $0x140000, s9;
	_ =	strace $0x80000047;
	[dreg:$0x4] =	wrdreg s20  }
0xa: {  	[dreg:$0x5] =	wrdreg s21;
	s14 =	sshll.u32 s9, $0x7;
	s24 =	ssub.s32 $0x2, s9  }
0xb: {  	s29 =	smul.u32 $0xFA0, s9;
	s20 =	simm.s32 $0x14028;
	s21 =	simm.s32 $0x15500  }
0xc: {  	s12 =	sadd.s32 s5, s7;
	s13 =	sor.u32 s14, s13;
	s26 =	sshrl.u32 s24, $0x1  }
0xd: {  	s14 =	simm.s32 $0x1A980;
	s10 =	sadd.s32 s11, s10;
	s11 =	smul.u32 $0x14000, s22  }
0xe: {  	s25 =	sand.u32 $0x380, s13;
	s30 =	ssub.s32 s24, s26;
	s31 =	sadd.s32 s29, s12  }
0xf: {  	s12 =	simm.s32 $0x16900;
	s13 =	simm.s32 $0x3;
	s22 =	simm.s32 $0x1  }
0x10: {  	s24 =	simm.s32 $0x50;
	s10 =	sshrl.u32 s10, $0x3;
	s9 =	smax.u32 s30, $0x1  }
0x11: {  	s23 =	sadd.s32 s10, s7;
	s10 =	sor.u32 s11, s25;
	s7 =	smul.u32 $0x280, s0  }
0x12: {  	s25 =	simm.s32 $0x14080;
	s10 =	sshrl.u32 s10, $0x3;
	s11 =	sadd.s32 $0x4A200, s23  }
0x13: {  	v0 =	vlaneseq.u32;
	v1 =	vimm.f32 $1.000000000e+00;
	s23 =	simm.s32 $0x2;
	s8 =	sadd.s32 s8, s10;
	s10 =	sadd.s32 $0x2E00, s31  }
.LBB2_1:
0x14: {  	s0 =	rddreg [dreg:$0x4]  }
0x15: {  	[tilespmem:s12], [sflag:$0x3] =	stream.linear.gather [hbm4b:s0+s3], $0x4000, $0x38;
	[tilespmem:$0x1D180] =	vst v63  }
0x16: {  	_ =	swait.ge [sflag:s13], $0x4000  }
0x17: {  	[sflag:s13] =	ssyncset.done $0x0  }
0x18: {  	s5 =	rddreg [dreg:$0x5];
	[sflag:s13] =	ssyncadd.s32 $0xFFFFC000  }
0x19: {  	[tilespmem:s14], [sflag:$0x3] =	stream.linear.gather [hbm4b:s5+s3], $0x2800, $0x38;
	[tilespmem:$0x1D180] =	vst v63  }
0x1a: {  	_ =	swait.ge [sflag:s13], $0x2800  }
0x1b: {  	s29 =	sadd.s32 $0x0, s7;
	[sflag:s13] =	ssyncset.done $0x0  }
0x1c: {  	v2 =	vor.u32 s29, v0;
	s31 =	sadd.s32 $0x60, s29;
	[sflag:s13] =	ssyncadd.s32 $0xFFFFD800  }
0x1d: {  	s30 =	sadd.s32 $0x70, s29;
	v3 =	vor.u32 s31, v0;
	[tilespmem:$0x1A900] =	vst v2  }
0x1e: {  	s6 =	sadd.s32 $0x40, s29;
	v2 =	vor.u32 s30, v0;
	[tilespmem:$0x1A960] =	vst v3  }
0x1f: {  	s30 =	sadd.s32 $0x50, s29;
	v3 =	vor.u32 s6, v0;
	[tilespmem:$0x1A970] =	vst v2  }
0x20: {  	v2 =	vor.u32 s30, v0;
	s30 =	sadd.s32 $0x30, s29;
	[tilespmem:$0x1A940] =	vst v3  }
0x21: {  	s26 =	sadd.s32 $0x20, s29;
	[tilespmem:$0x1A950] =	vst v2;
	v4 =	vor.u32 s30, v0  }
0x22: {  	s30 =	sadd.s32 $0x10, s29;
	v2 =	vor.u32 s26, v0;
	s29 =	simm.s32 $0x80;
	[tilespmem:$0x1A930] =	vst v4  }
.LBB2_2:
0x23: {  	p0 =	sne.s32 s29, $0x200;
	v3 =	vor.u32 s30, v0;
	[tilespmem:$0x1A920] =	vst v2  }
0x24: {  	[tilespmem:$0x1A910] =	vst v3;
	[spmem:s2] =	stream.indirect.scatter [tilespmem:s12], [sflag:$0x3], $0x80, s16, s15, $0xb8  }
0x25: {  	_ =	swait.ge [sflag:s13], $0x4000  }
0x26: {  	s30 =	sadd.s32 s29, s7;
	[sflag:s13] =	ssyncset.done $0x0  }
0x27: {  	v2 =	vor.u32 s30, v0;
	s31 =	sadd.s32 $0x70, s30;
	[sflag:s13] =	ssyncadd.s32 $0xFFFFC000  }
0x28: {  	s1 =	sadd.s32 $0x60, s30;
	[tilespmem:$0x1A900] =	vst v2;
	v2 =	vor.u32 s31, v0  }
.Ltmp0:
0x29: {  	v3 =	vor.u32 s1, v0;
	s31 =	sadd.s32 $0x50, s30;
	[tilespmem:$0x1A970] =	vst v2;
	(pc) =	sbr.rel @p0 .LBB2_2-.Ltmp0, $4  }
0x2a: {  	s1 =	sadd.s32 $0x40, s30;
	v2 =	vor.u32 s31, v0;
	[tilespmem:$0x1A960] =	vst v3  }
0x2b: {  	s31 =	sadd.s32 $0x30, s30;
	v3 =	vor.u32 s1, v0;
	[tilespmem:$0x1A950] =	vst v2  }
0x2c: {  	s1 =	sadd.s32 $0x20, s30;
	v4 =	vor.u32 s31, v0;
	[tilespmem:$0x1A940] =	vst v3  }
0x2d: {  	s29 =	sadd.s32 $0x80, s29;
	s30 =	sadd.s32 $0x10, s30;
	v2 =	vor.u32 s1, v0;
	[tilespmem:$0x1A930] =	vst v4  }
0x2e: {  	v3 =	vor.u32 s30, v0;
	[tilespmem:$0x1A920] =	vst v2  }
0x2f: {  	[tilespmem:$0x1A910] =	vst v3  }
0x30: {  	[spmem:s2] =	stream.indirect.scatter [tilespmem:s12], [sflag:$0x3], $0x80, s16, s15, $0xb8;
	[tilespmem:$0x1D180] =	vst v63  }
0x31: {  	_ =	swait.ge [sflag:s13], $0x4000  }
0x32: {  	[sflag:s13] =	ssyncset.done $0x0  }
0x33: {  	[sflag:s13] =	ssyncadd.s32 $0xFFFFC000  }
0x34: {  	s29 =	simm.s32 $0x0;
	[bflag:$0x0] =	sbarrier.arrive $0xFFFF  }
.LBB2_4:
0x35: {  	s1 =	sadd.s32 s29, s10  }
0x36: {  	[tilespmem:s17], [sflag:$0x3] =	stream.linear.gather [hbm4b:s1+s3], $0x100, $0x38;
	[tilespmem:$0x1D180] =	vst v63  }
0x37: {  	_ =	swait.ge [sflag:s13], $0x100  }
0x38: {  	[sflag:s13] =	ssyncset.done $0x0  }
0x39: {  	[sflag:s13] =	ssyncadd.s32 $0xFFFFFF00  }
0x3a: {  	[tilespmem:s19], [sflag:$0x1] =	stream.indirect.gather [hbm4b:s4+s18], $0x80, s17, s18, $0xb8;
	[tilespmem:$0x1D180] =	vst v63  }
0x3b: {  	_ = 	snop  }
0x3c: {  	[tilespmem:s21], [sflag:$0x2] =	stream.indirect.gather [hbm4b:s4+s18], $0x80, s20, s18, $0xb8;
	[tilespmem:$0x1D180] =	vst v63  }
0x3d: {  	_ =	swait.ge [sflag:s22], $0x1400  }
0x3e: {  	[sflag:s22] =	ssyncset.done $0x0  }
0x3f: {  	[sflag:s22] =	ssyncadd.s32 $0xFFFFEC00  }
0x40: {  	_ =	swait.ge [sflag:s23], $0x1400  }
0x41: {  	[sflag:s23] =	ssyncset.done $0x0  }
0x42: {  	[sflag:s23] =	ssyncadd.s32 $0xFFFFEC00  }
0x43: {  	[spmem:s2] =	stream.indirect.scatter.add.f32 [tilespmem:s19], [sflag:$0x3], $0x80, s25, s24, $0xb8;
	[tilespmem:$0x1D180] =	vst v63  }
0x44: {  	_ =	swait.ge [sflag:s13], $0x2800  }
0x45: {  	[sflag:s13] =	ssyncset.done $0x0  }
0x46: {  	[sflag:s13] =	ssyncadd.s32 $0xFFFFD800  }
0x47: {  	v2 =	vld [tilespmem:$0x14080];
	_ =	sdelay $0x7  }
0x48: {  	[tilespmem:v2+s14+$0x0] =	vst.idx.add.f32.msk $0xffff, v1  }
0x49: {  	v2 =	vld [tilespmem:$0x14090];
	_ =	sdelay $0x7  }
0x4a: {  	[tilespmem:v2+s14+$0x0] =	vst.idx.add.f32.msk $0xffff, v1  }
0x4b: {  	v2 =	vld [tilespmem:$0x140A0];
	_ =	sdelay $0x7  }
0x4c: {  	[tilespmem:v2+s14+$0x0] =	vst.idx.add.f32.msk $0xffff, v1  }
0x4d: {  	v2 =	vld [tilespmem:$0x140B0];
	_ =	sdelay $0x7  }
0x4e: {  	[tilespmem:v2+s14+$0x0] =	vst.idx.add.f32.msk $0xffff, v1  }
0x4f: {  	v2 =	vld [tilespmem:$0x140C0];
	_ =	sdelay $0x2  }
0x50: {  	p0 =	sne.s32 s29, $0xF80  }
.Ltmp1:
0x51: {  	_ = 	snop;
	(pc) =	sbr.rel @p0 .LBB2_4-.Ltmp1, $2  }
0x52: {  	_ =	sdelay $0x2  }
0x53: {  	s29 =	sadd.s32 $0x20, s29;
	[tilespmem:v2+s14+$0x0] =	vst.idx.add.f32.msk $0xffff, v1  }
0x54: {  	s1 =	sadd.s32 $0x0, s7  }
0x55: {  	[bflag:$0x0] =	sbarrier.arrive $0xFFFF;
	v2 =	vor.u32 s1, v0;
	s29 =	sadd.s32 $0x10, s1  }
0x56: {  	s30 =	sadd.s32 $0x20, s1;
	[tilespmem:$0x1A900] =	vst v2;
	v2 =	vor.u32 s29, v0  }
0x57: {  	s29 =	sadd.s32 $0x70, s1;
	v3 =	vor.u32 s30, v0;
	[tilespmem:$0x1A910] =	vst v2  }
0x58: {  	s30 =	sadd.s32 $0x40, s1;
	v2 =	vor.u32 s29, v0;
	[tilespmem:$0x1A920] =	vst v3  }
0x59: {  	s29 =	sadd.s32 $0x50, s1;
	v3 =	vor.u32 s30, v0;
	[tilespmem:$0x1A970] =	vst v2  }
0x5a: {  	v2 =	vor.u32 s29, v0;
	s29 =	sadd.s32 $0x60, s1;
	[tilespmem:$0x1A940] =	vst v3  }
0x5b: {  	s1 =	sadd.s32 $0x30, s1;
	[tilespmem:$0x1A950] =	vst v2;
	v2 =	vor.u32 s29, v0  }
0x5c: {  	v3 =	vor.u32 s1, v0;
	[tilespmem:$0x1A960] =	vst v2  }
0x5d: {  	s31 =	smov.u32 s11;
	s30 =	smov.u32 s11;
	s29 =	simm.s32 $0x80;
	[tilespmem:$0x1A930] =	vst v3  }
0x5e: {  	[tilespmem:s12], [sflag:$0x1] =	stream.indirect.gather [spmem:s2], $0x80, s16, s15, $0xb8;
	[tilespmem:$0x1D180] =	vst v63  }
.LBB2_6:
0x5f: {  	p0 =	sne.s32 s29, $0x200;
	_ =	swait.ge [sflag:s22], $0x4000;
	s31 =	sadd.s32 $0x800, s31  }
0x60: {  	s1 =	smov.u32 s29;
	s29 =	sadd.s32 $0x80, s29;
	[sflag:s22] =	ssyncset.done $0x0  }
0x61: {  	[sflag:s22] =	ssyncadd.s32 $0xFFFFC000  }
0x62: {  	[hbm4b:s30+s3] =	stream.linear.scatter [tilespmem:s12], [sflag:$0x3], $0x4000, $0x38;
	[tilespmem:$0x1D180] =	vst v63  }
0x63: {  	s30 =	smov.u32 s31;
	_ =	swait.ge [sflag:s13], $0x4000  }
0x64: {  	s1 =	sadd.s32 s1, s7;
	[sflag:s13] =	ssyncset.done $0x0  }
0x65: {  	v2 =	vor.u32 s1, v0;
	s0 =	sadd.s32 $0x10, s1;
	s26 =	sadd.s32 $0x20, s1;
	[sflag:s13] =	ssyncadd.s32 $0xFFFFC000  }
0x66: {  	s5 =	sadd.s32 $0x70, s1;
	v3 =	vor.u32 s26, v0;
	s26 =	sadd.s32 $0x50, s1;
	[tilespmem:$0x1A900] =	vst v2;
	v2 =	vor.u32 s0, v0;
	s0 =	sadd.s32 $0x40, s1  }
0x67: {  	s6 =	sadd.s32 $0x30, s1;
	v5 =	vor.u32 s5, v0;
	v4 =	vor.u32 s26, v0;
	[tilespmem:$0x1A910] =	vst v2;
	v2 =	vor.u32 s0, v0;
	s0 =	sadd.s32 $0x60, s1  }
0x68: {  	v6 =	vor.u32 s6, v0;
	v7 =	vor.u32 s0, v0;
	[tilespmem:$0x1A970] =	vst v5  }
0x69: {  	[tilespmem:$0x1A920] =	vst v3  }
.Ltmp2:
0x6a: {  	[tilespmem:$0x1A950] =	vst v4;
	(pc) =	sbr.rel @p0 .LBB2_6-.Ltmp2, $4  }
0x6b: {  	[tilespmem:$0x1A940] =	vst v2  }
0x6c: {  	[tilespmem:$0x1A960] =	vst v7  }
0x6d: {  	[tilespmem:$0x1A930] =	vst v6  }
0x6e: {  	[tilespmem:s12], [sflag:$0x1] =	stream.indirect.gather [spmem:s2], $0x80, s16, s15, $0xb8;
	[tilespmem:$0x1D180] =	vst v63  }
0x6f: {  	_ =	swait.ge [sflag:s22], $0x4000  }
0x70: {  	[sflag:s22] =	ssyncset.done $0x0  }
0x71: {  	[sflag:s22] =	ssyncadd.s32 $0xFFFFC000  }
0x72: {  	[hbm4b:s30+s3] =	stream.linear.scatter [tilespmem:s12], [sflag:$0x3], $0x4000, $0x38;
	[tilespmem:$0x1D180] =	vst v63  }
0x73: {  	s28 =	sadd.s32 $0x1, s28;
	_ =	swait.ge [sflag:s13], $0x4000  }
0x74: {  	p0 =	sne.s32 s28, s9;
	[sflag:s13] =	ssyncset.done $0x0  }
.Ltmp3:
0x75: {  	s0 =	simm.s32 $0x400;
	[sflag:s13] =	ssyncadd.s32 $0xFFFFC000;
	(pc) =	sbr.rel @p0 .LBB2_1-.Ltmp3, $4  }
0x76: {  	[hbm4b:s8+s15] =	stream.strided.scatter [tilespmem:s14], [sflag:$0x3], $0x2800, s0, s15, $0x38;
	[tilespmem:$0x1D180] =	vst v63  }
0x77: {  	_ =	swait.ge [sflag:s13], $0x2800  }
0x78: {  	[sflag:s13] =	ssyncset.done $0x0  }
0x79: {  	[sflag:s13] =	ssyncadd.s32 $0xFFFFD800  }
0x7a: {  	_ =	sfence.sel $0x180000  }
0x7b: {  	[bflag:$0x0] =	sbarrier.arrive $0xFFFF  }
0x7c: {  	_ =	strace $0x90000047  }
0x7d: {  	s0 =	stileid.u32;
	[bflag:$0x2] =	sbarrier.arrive $0xFFFF  }
0x7e: {  	p0 =	sne.s32 s0, $0x0;
	s0 =	rddreg [dreg:$0x3]  }
0x7f: {  	s0 =	sadd.s32 @!p0 $0x100000, s0  }
0x80: {  	[sflag:s0] =	ssyncadd.tile.s32 @!p0 $0x1;
	_ =	shalt  }
.Lfunc_end2:
_tile_overlayer_lowered:
.L_overlay_start_2:
0x81: {  	(tag) =	ssettag $0x2  }
0x82: {  	s0 =	rddreg [dreg:$0x0];
	s2 =	stileid.u32  }
0x83: {  	s1 =	rddreg [dreg:$0x1];
	p0 =	sne.s32 s2, $0x0  }
0x84: {  	s3 =	rddreg [dreg:$0x2];
	[bflag:$0x3] =	sbarrier.arrive $0xFFFF;
	s2 =	simm.s32 @!p0 $0x1C03  }
0x85: {  	[timem:s3], [sflag:s2] =	dma.local @!p0 [hbm:s0], s1  }
0x86: {  	s0 =	simm.s32 @!p0 $0x3  }
0x87: {  	_ =	swait.ge @!p0 [sflag:s0], s1  }
0x88: {  	s1 =	ssub.s32 @!p0 $0x0, s1;
	[sflag:s0] =	ssyncset.done @!p0 $0x0  }
0x89: {  	[sflag:s0] =	ssyncadd.s32 @!p0 s1  }
0x8a: {  	[bflag:$0x3] =	sbarrier.arrive $0xFFFF  }
0x8b: {  	_ =	shalt  }

// kernel: kernel.14.cloned.1.call-start
scs
__scs_entry_jumppad:
0x0: {  	(pc) =	sbr.rel $0x88, $3  }
0x1: {  	(tag) =	ssettag $0x0;
	lr =	simm.s32 $0x1  }
0x2: {  	[smem:$0x3F96] =	sst lr;
	_ =	strace $0xD0000000  }
0x3: {  	_ = 	snop  }
0x4: {  	_ = 	snop  }
0x5: {  	_ = 	snop  }
0x6: {  	_ = 	snop  }
0x7: {  	_ = 	snop  }
__scs_overlays_trampoline_lowered:
0x8: {  	[smem:$0x3FA5] =	sst s0  }
0x9: {  	[smem:$0x3FA6] =	sst s1  }
0xa: {  	[smem:$0x3FA7] =	sst s2  }
0xb: {  	[smem:$0x3FA8] =	sst s3  }
0xc: {  	[smem:$0x3FA9] =	sst s4  }
0xd: {  	[smem:$0x3FAA] =	sst s5  }
0xe: {  	[smem:$0x3FAB] =	sst s6  }
0xf: {  	[smem:$0x3FAC] =	sst s7  }
0x10: {  	[smem:$0x3FAD] =	sst s8  }
0x11: {  	[smem:$0x3FAE] =	sst s9;
	s0 =	simm.s32 @!p0 $0x0  }
0x12: {  	s1 =	sld [smem:$0x3F94];
	s0 =	simm.s32 @p0 $0x1  }
0x13: {  	[smem:$0x3FAF] =	sst s0;
	s0 =	simm.s32 @!p1 $0x0  }
0x14: {  	s2 =	sld [smem:$0x3F93];
	s0 =	simm.s32 @p1 $0x1  }
0x15: {  	[smem:$0x3FB0] =	sst s0;
	s0 =	simm.s32 @!p2 $0x0  }
0x16: {  	s3 =	sld [smem:$0x3FDB];
	s0 =	simm.s32 @p2 $0x1  }
0x17: {  	s4 =	simm.s32 $0x1BF5;
	[smem:$0x3FB2] =	sst s0  }
0x18: {  	s0 =	sld [smem:$0x3F95];
	_ =	swait.ge [sflag:s4], $0x0  }
0x19: {  	s7 =	sld [smem:$0x3F96]  }
0x1a: {  	s8 =	sadd.s32 $0xFFFFE003, lr  }
0x1b: {  	s9 =	sadd.s32 $0xFFFFFEF7, lr;
	s5 =	simm.s32 $0xFFFFFFFF;
	p2 =	slt.u32 s8, $0xFFFFF086  }
0x1c: {  	p1 =	slt.u32 s9, $0xF7A;
	s5 =	simm.s32 @!p2 $0x0  }
0x1d: {  	s5 =	simm.s32 @p1 $0x1;
	p0 =	seq.s32 s7, s2  }
0x1e: {  	s7 =	smul.u32 @!p0 $0xF7A, s2;
	p2 =	seq.s32 @!p0 s5, $0x0  }
0x1f: {  	s9 =	smul.u32 $0xF7A, s1;
	s8 =	simm.s32 @!p0 $0x1BF5;
	p2 =	por !p2, p0  }
0x20: {  	[sflag:s8] =	ssyncset.s32 @!p0 $0xFFFFF086;
	s6 =	sadd.s32 @!p0 s3, s7;
	s7 =	simm.s32 @!p0 $0x108  }
0x21: {  	s3 =	sadd.s32 s3, s9;
	s6 =	sadd.s32 @!p0 $0x88, s6;
	s7 =	simm.s32 @p2 $0x1082  }
0x22: {  	[simem:s7], [sflag:s8] =	dma.local @!p0 [hbm:s6], $0xF7A  }
0x23: {  	s9 =	sor.u32 $0xD0000000, s2;
	s6 =	simm.s32 $0x108;
	_ =	swait.ge @!p0 [sflag:s8], $0x0  }
0x24: {  	s3 =	sadd.s32 $0x88, s3;
	s6 =	simm.s32 @!p1 $0x1082;
	[sflag:s4] =	ssyncset.s32 $0xFFFFF086  }
0x25: {  	[simem:s6], [sflag:s4] =	dma.local [hbm:s3], $0xF7A  }
0x26: {  	[smem:$0x3F96] =	sst s1;
	(tag) =	ssettag s2;
	_ =	strace s9  }
0x27: {  	s1 =	sld [smem:$0x3FA6]  }
0x28: {  	s2 =	sld [smem:$0x3FA7]  }
0x29: {  	s4 =	sld [smem:$0x3FA9]  }
0x2a: {  	p0 =	seq.s32 s5, $0x0;
	s5 =	sld [smem:$0x3FAA]  }
0x2b: {  	s6 =	sld [smem:$0x3FAB]  }
0x2c: {  	s7 =	sld [smem:$0x3FAC]  }
0x2d: {  	s3 =	simm.s32 $0x108;
	s8 =	sld [smem:$0x3FAD]  }
0x2e: {  	s3 =	simm.s32 @!p0 $0x1082;
	s9 =	sld [smem:$0x3FAE]  }
0x2f: {  	lr =	sadd.s32 s0, s3;
	s0 =	sld [smem:$0x3FA5]  }
0x30: {  	s3 =	sld [smem:$0x3FA8]  }
0x31: {  	[smem:$0x3FB1] =	sst s10  }
0x32: {  	s10 =	sld [smem:$0x3FAF];
	_ =	sdelay $0x3  }
0x33: {  	p0 =	seq.s32 s10, $0x1;
	s10 =	sld [smem:$0x3FB1];
	_ =	sdelay $0x3  }
0x34: {  	[smem:$0x3FB1] =	sst s10  }
0x35: {  	s10 =	sld [smem:$0x3FB0];
	_ =	sdelay $0x3  }
0x36: {  	p1 =	seq.s32 s10, $0x1;
	s10 =	sld [smem:$0x3FB1];
	_ =	sdelay $0x3  }
0x37: {  	[smem:$0x3FB1] =	sst s10  }
0x38: {  	s10 =	sld [smem:$0x3FB2]  }
0x39: {  	_ = 	snop;
	(pc) =	sbr.ind lr, $3  }
0x3a: {  	_ = 	snop  }
0x3b: {  	_ = 	snop  }
0x3c: {  	p2 =	seq.s32 s10, $0x1;
	s10 =	sld [smem:$0x3FB1]  }
0x3d: {  	_ =	shalt  }
0x3e: {  	_ =	shalt  }
0x3f: {  	_ =	shalt  }
0x40: {  	_ =	shalt  }
0x41: {  	_ =	shalt  }
0x42: {  	_ =	shalt  }
0x43: {  	_ =	shalt  }
0x44: {  	_ =	shalt  }
0x45: {  	_ =	shalt  }
0x46: {  	_ =	shalt  }
0x47: {  	_ =	shalt  }
0x48: {  	_ =	shalt  }
0x49: {  	_ =	shalt  }
0x4a: {  	_ =	shalt  }
0x4b: {  	_ =	shalt  }
0x4c: {  	_ =	shalt  }
0x4d: {  	_ =	shalt  }
0x4e: {  	_ =	shalt  }
0x4f: {  	_ =	shalt  }
0x50: {  	_ =	shalt  }
0x51: {  	_ =	shalt  }
0x52: {  	_ =	shalt  }
0x53: {  	_ =	shalt  }
0x54: {  	_ =	shalt  }
0x55: {  	_ =	shalt  }
0x56: {  	_ =	shalt  }
0x57: {  	_ =	shalt  }
0x58: {  	_ =	shalt  }
0x59: {  	_ =	shalt  }
0x5a: {  	_ =	shalt  }
0x5b: {  	_ =	shalt  }
0x5c: {  	_ =	shalt  }
0x5d: {  	_ =	shalt  }
0x5e: {  	_ =	shalt  }
0x5f: {  	_ =	shalt  }
0x60: {  	_ =	shalt  }
0x61: {  	_ =	shalt  }
0x62: {  	_ =	shalt  }
0x63: {  	_ =	shalt  }
0x64: {  	_ =	shalt  }
0x65: {  	_ =	shalt  }
0x66: {  	_ =	shalt  }
0x67: {  	_ =	shalt  }
0x68: {  	_ =	shalt  }
0x69: {  	_ =	shalt  }
0x6a: {  	_ =	shalt  }
0x6b: {  	_ =	shalt  }
0x6c: {  	_ =	shalt  }
0x6d: {  	_ =	shalt  }
0x6e: {  	_ =	shalt  }
0x6f: {  	_ =	shalt  }
0x70: {  	_ =	shalt  }
0x71: {  	_ =	shalt  }
0x72: {  	_ =	shalt  }
0x73: {  	_ =	shalt  }
0x74: {  	_ =	shalt  }
0x75: {  	_ =	shalt  }
0x76: {  	_ =	shalt  }
0x77: {  	_ =	shalt  }
0x78: {  	_ =	shalt  }
0x79: {  	_ =	shalt  }
0x7a: {  	_ =	shalt  }
0x7b: {  	_ =	shalt  }
0x7c: {  	_ =	shalt  }
0x7d: {  	_ =	shalt  }
0x7e: {  	_ =	shalt  }
0x7f: {  	_ =	shalt  }
0x80: {  	_ =	shalt  }
0x81: {  	_ =	shalt  }
0x82: {  	_ =	shalt  }
0x83: {  	_ =	shalt  }
0x84: {  	_ =	shalt  }
0x85: {  	_ =	shalt  }
0x86: {  	_ =	shalt  }
0x87: {  	_ =	shalt  }
.Lfunc_end0:
.L_simem_size_0:
called_computation.1_lowered:
.L_overlay_start_0:
0x88: {  	s2 =	sld [smem:$0x3FD9]  }
0x89: {  	s3 =	sld [smem:$0x3FFE];
	_ =	sdelay $0x1  }
0x8a: {  	s1 =	srdreg.scid  }
0x8b: {  	s0 =	sand.u32 $0x1, s1  }
0x8c: {  	s16 =	sshll.u32 s0, $0xA;
	s2 =	sadd.s32 s3, s2  }
0x8d: {  	s2 =	sadd.s32 s2, s16  }
0x8e: {  	[smem:$0x3FBD] =	sst s2  }
0x8f: {  	_ = 	snop  }
0x90: {  	(tm) =	ssettm $0x1  }
0x91: {  	s17 =	sld [smem:$0x3FFB];
	_ =	sdelay $0x3  }
0x92: {  	_ =	strace s17  }
0x93: {  	s2 =	sld [smem:$0x3FFC];
	_ =	sdelay $0x3  }
0x94: {  	_ =	strace s2  }
0x95: {  	s2 =	sld [smem:$0x3FFD];
	_ =	sdelay $0x3  }
0x96: {  	_ =	strace s2  }
0x97: {  	_ =	strace $0x8FFFFFFF  }
0x98: {  	s18 =	sld [smem:$0x3FDB];
	_ =	sdelay $0x1  }
0x99: {  	s19 =	simm.s32 $_scs_section_size  }
0x9a: {  	s4 =	simm.s32 $_size__tile_overlayer_lowered;
	s5 =	simm.s32 $_tile_overlayer_lowered  }
0x9b: {  	s22 =	simm.s32 $0x1BFF;
	s21 =	sshll.u32 s5, $0x1;
	s2 =	sadd.s32 s19, s18  }
0x9c: {  	s6 =	simm.s32 $0x0;
	s20 =	sshll.u32 s4, $0x1;
	s4 =	sadd.s32 s21, s2  }
0x9d: {  	[timem:s6], [sflag:s22] =	dma.local [hbm:s4], s20  }
0x9e: {  	_ =	swait.ge [sflag:s22], s20  }
0x9f: {  	s3 =	ssub.s32 $0x0, s20;
	[sflag:s22] =	ssyncset.done $0x0  }
0xa0: {  	[sflag:s22] =	ssyncadd.s32 s3;
	_ =	sdelay $0x1  }
0xa1: {  	s23 =	simm.s32 $0x1B8B  }
0xa2: {  	_ =	swait.ge [sflag:s23], $0x1  }
0xa3: {  	[sflag:s23] =	ssyncset.done $0x0  }
0xa4: {  	s25 =	simm.s32 $0x1B8E;
	s24 =	sld [smem:$0x3FFE];
	[sflag:s23] =	ssyncadd.s32 $0xFFFFFFFF  }
0xa5: {  	s26 =	simm.s32 $execute0_lowered;
	[smem:$0x3FD2] =	sst s25  }
0xa6: {  	s4 =	sshll.u32 s26, $0x1;
	_ =	strace $0x80000049;
	[dreg:$0x1] =	wrdreg $0xFFFFFFFF  }
0xa7: {  	s28 =	simm.s32 $_size_execute0_lowered;
	s2 =	sadd.s32 s2, s4;
	[dreg:$0x0] =	wrdreg $0x0  }
0xa8: {  	s4 =	sshll.u32 s28, $0x1;
	[dreg:$0x2] =	wrdreg s2  }
0xa9: {  	[dreg:$0x3] =	wrdreg s4  }
0xaa: {  	[dreg:$0x4] =	wrdreg $0xC0  }
0xab: {  	_ =	task [dreg:s6], $0x5FFFF  }
0xac: {  	[dreg:$0x1] =	wrdreg $0xFFFFFFFF  }
0xad: {  	[dreg:$0x0] =	wrdreg $0x60  }
0xae: {  	[dreg:$0x2] =	wrdreg s24  }
0xaf: {  	[dreg:$0x3] =	wrdreg $0x0  }
0xb0: {  	[dreg:$0x4] =	wrdreg $0x9  }
0xb1: {  	_ =	task.clear_ibuf [dreg:s6], $0x5FFFF;
	_ =	strace $0x90000049  }
0xb2: {  	s29 =	simm.s32 $0x9;
	_ =	strace $0x8000004B  }
0xb3: {  	_ =	swait.ge [sflag:s29], $0x1  }
0xb4: {  	[sflag:s29] =	ssyncadd.s32 $0xFFFFFFFF  }
0xb5: {  	_ =	strace $0x9000004B  }
0xb6: {  	_ =	sfence  }
0xb7: {  	s30 =	sld [smem:$0x0];
	_ =	sdelay $0x2  }
0xb8: {  	s31 =	sshll.u32 s1, $0xD;
	s1 =	sshrl.u32 s1, $0x2  }
0xb9: {  	s3 =	sand.u32 $0x4000, s31;
	s1 =	sadd.s32 s1, s30  }
0xba: {  	s0 =	sor.u32 s3, s0;
	s1 =	sshll.u32 s1, $0x11  }
0xbb: {  	s0 =	sor.u32 s1, s0  }
0xbc: {  	s0 =	sadd.s32 $0x8F2B, s0  }
0xbd: {  	[sflag:s0] =	ssyncadd.remote.s32 $0x1  }
0xbe: {  	_ =	sfence.sel $0xFFFF  }
0xbf: {  	[dreg:$0x0] =	wrdreg $0xFFFFFFFF;
	(pc) =	sbr.abs _section_cstart, $3  }
0xc0: {  	[dreg:$0x1] =	wrdreg $0xFFFFFFFF  }
0xc1: {  	_ =	task.clear_ibuf [dreg:s6], $0x2FFFF;
	_ =	strace $0x9FFFFFFF  }
0xc2: {  	(tm) =	ssettm $0x7FFFFFFF  }
0xc3: {  	_ =	shalt  }
tec
execute0_lowered:
.L_overlay_start_1:
0x0: {  	(tag) =	ssettag $0x1  }
0x1: {  	s6 =	rddreg [dreg:$0x0];
	s0 =	stileid.u32  }
0x2: {  	s1 =	srdreg.scid;
	s2 =	rddreg [dreg:$0x1]  }
0x3: {  	s3 =	simm.s32 $0x0;
	s13 =	simm.s32 $0x1A900;
	s14 =	simm.s32 $0x14000  }
0x4: {  	s15 =	simm.s32 $0x28;
	s16 =	simm.s32 $0x14100;
	s17 =	simm.s32 $0x14028  }
0x5: {  	s18 =	simm.s32 $0x15500;
	s19 =	simm.s32 $0x1;
	s20 =	simm.s32 $0x2  }
0x6: {  	s21 =	simm.s32 $0x50;
	s22 =	simm.s32 $0x14080;
	s5 =	smul.u32 $0x1F40, s0  }
0x7: {  	s23 =	simm.s32 $0x0;
	s7 =	sand.u32 $0x1, s1;
	s9 =	smul.u32 $0x14000, s0  }
0x8: {  	[smem:$0x7FF] =	sst s3;
	s4 =	sadd.s32 $0x22200, s6;
	s8 =	smul.u32 $0x140000, s7  }
0x9: {  	_ =	strace $0x8000004A;
	s29 =	ssub.s32 $0x2, s7;
	s7 =	smul.u32 $0xFA0, s7  }
0xa: {  	s10 =	sadd.s32 s5, s6;
	s5 =	sadd.s32 $0x49400, s6;
	s11 =	sshrl.u32 s29, $0x1  }
0xb: {  	s8 =	sadd.s32 s9, s8;
	s30 =	ssub.s32 s29, s11;
	s31 =	sadd.s32 s7, s10  }
0xc: {  	s10 =	simm.s32 $0x16900;
	s11 =	simm.s32 $0x3;
	s8 =	sshrl.u32 s8, $0x3  }
0xd: {  	s7 =	smax.u32 s30, $0x1;
	s12 =	sadd.s32 s8, s6;
	s6 =	smul.u32 $0x280, s0  }
0xe: {  	v0 =	vlaneseq.u32;
	s8 =	sadd.s32 $0x2E00, s31;
	s9 =	sadd.s32 $0x49C00, s12;
	s12 =	simm.s32 $0x80  }
.LBB2_1:
0xf: {  	[tilespmem:s10], [sflag:$0x3] =	stream.linear.gather [hbm4b:s5+s3], $0x4000, $0x38;
	[tilespmem:$0x1A980] =	vst v63  }
0x10: {  	_ =	swait.ge [sflag:s11], $0x4000  }
0x11: {  	s24 =	sadd.s32 $0x0, s6;
	[sflag:s11] =	ssyncset.done $0x0  }
0x12: {  	v1 =	vor.u32 s24, v0;
	s26 =	sadd.s32 $0x60, s24;
	[sflag:s11] =	ssyncadd.s32 $0xFFFFC000  }
0x13: {  	s30 =	sadd.s32 $0x30, s24;
	v2 =	vor.u32 s26, v0;
	[tilespmem:$0x1A900] =	vst v1  }
0x14: {  	s25 =	sadd.s32 $0x70, s24;
	v3 =	vor.u32 s30, v0;
	[tilespmem:$0x1A960] =	vst v2  }
0x15: {  	s29 =	sadd.s32 $0x40, s24;
	v1 =	vor.u32 s25, v0;
	[tilespmem:$0x1A930] =	vst v3  }
0x16: {  	s28 =	sadd.s32 $0x50, s24;
	v2 =	vor.u32 s29, v0;
	[tilespmem:$0x1A970] =	vst v1  }
0x17: {  	s31 =	sadd.s32 $0x20, s24;
	v1 =	vor.u32 s28, v0;
	[tilespmem:$0x1A940] =	vst v2  }
0x18: {  	s25 =	sadd.s32 $0x10, s24;
	s24 =	simm.s32 $0x80;
	[tilespmem:$0x1A950] =	vst v1;
	v1 =	vor.u32 s31, v0  }
.LBB2_2:
0x19: {  	p0 =	sne.s32 s24, $0x200;
	v2 =	vor.u32 s25, v0;
	[tilespmem:$0x1A920] =	vst v1  }
0x1a: {  	[tilespmem:$0x1A910] =	vst v2;
	[spmem:s2] =	stream.indirect.scatter [tilespmem:s10], [sflag:$0x3], $0x80, s13, s12, $0xb8  }
0x1b: {  	_ =	swait.ge [sflag:s11], $0x4000  }
0x1c: {  	s25 =	sadd.s32 s24, s6;
	[sflag:s11] =	ssyncset.done $0x0  }
0x1d: {  	v1 =	vor.u32 s25, v0;
	s26 =	sadd.s32 $0x70, s25;
	[sflag:s11] =	ssyncadd.s32 $0xFFFFC000  }
0x1e: {  	s28 =	sadd.s32 $0x60, s25;
	[tilespmem:$0x1A900] =	vst v1;
	v1 =	vor.u32 s26, v0  }
.Ltmp0:
0x1f: {  	v2 =	vor.u32 s28, v0;
	s26 =	sadd.s32 $0x50, s25;
	[tilespmem:$0x1A970] =	vst v1;
	(pc) =	sbr.rel @p0 .LBB2_2-.Ltmp0, $4  }
0x20: {  	s28 =	sadd.s32 $0x40, s25;
	v1 =	vor.u32 s26, v0;
	[tilespmem:$0x1A960] =	vst v2  }
0x21: {  	s26 =	sadd.s32 $0x30, s25;
	v2 =	vor.u32 s28, v0;
	[tilespmem:$0x1A950] =	vst v1  }
0x22: {  	s28 =	sadd.s32 $0x20, s25;
	v3 =	vor.u32 s26, v0;
	[tilespmem:$0x1A940] =	vst v2  }
0x23: {  	s24 =	sadd.s32 $0x80, s24;
	s25 =	sadd.s32 $0x10, s25;
	v1 =	vor.u32 s28, v0;
	[tilespmem:$0x1A930] =	vst v3  }
0x24: {  	v2 =	vor.u32 s25, v0;
	[tilespmem:$0x1A920] =	vst v1  }
0x25: {  	[tilespmem:$0x1A910] =	vst v2  }
0x26: {  	[spmem:s2] =	stream.indirect.scatter [tilespmem:s10], [sflag:$0x3], $0x80, s13, s12, $0xb8;
	[tilespmem:$0x1A980] =	vst v63  }
0x27: {  	_ =	swait.ge [sflag:s11], $0x4000  }
0x28: {  	[sflag:s11] =	ssyncset.done $0x0  }
0x29: {  	[sflag:s11] =	ssyncadd.s32 $0xFFFFC000  }
0x2a: {  	s24 =	sadd.s32 $0x0, s8;
	[bflag:$0x0] =	sbarrier.arrive $0xFFFF  }
0x2b: {  	[tilespmem:s14], [sflag:$0x3] =	stream.linear.gather [hbm4b:s24+s3], $0x100, $0x38;
	[tilespmem:$0x1A980] =	vst v63  }
0x2c: {  	_ =	swait.ge [sflag:s11], $0x100  }
0x2d: {  	[sflag:s11] =	ssyncset.done $0x0  }
0x2e: {  	[sflag:s11] =	ssyncadd.s32 $0xFFFFFF00  }
0x2f: {  	[tilespmem:s16], [sflag:$0x1] =	stream.indirect.gather [hbm4b:s4+s15], $0x80, s14, s15, $0xb8;
	[tilespmem:$0x1A980] =	vst v63  }
0x30: {  	_ = 	snop  }
0x31: {  	[tilespmem:s18], [sflag:$0x2] =	stream.indirect.gather [hbm4b:s4+s15], $0x80, s17, s15, $0xb8;
	[tilespmem:$0x1A980] =	vst v63  }
0x32: {  	_ =	swait.ge [sflag:s19], $0x1400  }
0x33: {  	[sflag:s19] =	ssyncset.done $0x0  }
0x34: {  	[sflag:s19] =	ssyncadd.s32 $0xFFFFEC00  }
0x35: {  	_ =	swait.ge [sflag:s20], $0x1400  }
0x36: {  	[sflag:s20] =	ssyncset.done $0x0  }
0x37: {  	[sflag:s20] =	ssyncadd.s32 $0xFFFFEC00  }
0x38: {  	[spmem:s2] =	stream.indirect.scatter.add.f32 [tilespmem:s16], [sflag:$0x3], $0x80, s22, s21, $0xb8;
	[tilespmem:$0x1A980] =	vst v63  }
0x39: {  	_ =	swait.ge [sflag:s11], $0x2800  }
0x3a: {  	s25 =	simm.s32 $0x40;
	s24 =	simm.s32 $0x20;
	[sflag:s11] =	ssyncset.done $0x0  }
.LBB2_4:
0x3b: {  	s26 =	sadd.s32 s24, s8  }
0x3c: {  	[sflag:s11] =	ssyncadd.s32 $0xFFFFD800;
	s24 =	smov.u32 s25;
	s28 =	sadd.s32 $0x20, s25  }
0x3d: {  	[tilespmem:s14], [sflag:$0x3] =	stream.linear.gather [hbm4b:s26+s3], $0x100, $0x38;
	[tilespmem:$0x1A980] =	vst v63  }
0x3e: {  	p0 =	sne.s32 s25, $0xF80;
	_ =	swait.ge [sflag:s11], $0x100  }
0x3f: {  	[sflag:s11] =	ssyncset.done $0x0  }
0x40: {  	[sflag:s11] =	ssyncadd.s32 $0xFFFFFF00  }
0x41: {  	[tilespmem:s16], [sflag:$0x1] =	stream.indirect.gather [hbm4b:s4+s15], $0x80, s14, s15, $0xb8;
	[tilespmem:$0x1A980] =	vst v63  }
0x42: {  	_ = 	snop  }
0x43: {  	[tilespmem:s18], [sflag:$0x2] =	stream.indirect.gather [hbm4b:s4+s15], $0x80, s17, s15, $0xb8;
	[tilespmem:$0x1A980] =	vst v63  }
0x44: {  	_ =	swait.ge [sflag:s19], $0x1400  }
0x45: {  	[sflag:s19] =	ssyncset.done $0x0  }
0x46: {  	[sflag:s19] =	ssyncadd.s32 $0xFFFFEC00  }
0x47: {  	_ =	swait.ge [sflag:s20], $0x1400  }
.Ltmp1:
0x48: {  	[sflag:s20] =	ssyncset.done $0x0;
	(pc) =	sbr.rel @p0 .LBB2_4-.Ltmp1, $4  }
0x49: {  	[sflag:s20] =	ssyncadd.s32 $0xFFFFEC00  }
0x4a: {  	[spmem:s2] =	stream.indirect.scatter.add.f32 [tilespmem:s16], [sflag:$0x3], $0x80, s22, s21, $0xb8;
	[tilespmem:$0x1A980] =	vst v63  }
0x4b: {  	_ =	swait.ge [sflag:s11], $0x2800  }
0x4c: {  	s25 =	smov.u32 s28;
	[sflag:s11] =	ssyncset.done $0x0  }
0x4d: {  	s24 =	sadd.s32 s24, s8;
	[sflag:s11] =	ssyncadd.s32 $0xFFFFD800  }
0x4e: {  	[tilespmem:s14], [sflag:$0x3] =	stream.linear.gather [hbm4b:s24+s3], $0x100, $0x38;
	[tilespmem:$0x1A980] =	vst v63  }
0x4f: {  	_ =	swait.ge [sflag:s11], $0x100  }
0x50: {  	[sflag:s11] =	ssyncset.done $0x0  }
0x51: {  	[sflag:s11] =	ssyncadd.s32 $0xFFFFFF00  }
0x52: {  	[tilespmem:s16], [sflag:$0x1] =	stream.indirect.gather [hbm4b:s4+s15], $0x80, s14, s15, $0xb8;
	[tilespmem:$0x1A980] =	vst v63  }
0x53: {  	_ = 	snop  }
0x54: {  	[tilespmem:s18], [sflag:$0x2] =	stream.indirect.gather [hbm4b:s4+s15], $0x80, s17, s15, $0xb8;
	[tilespmem:$0x1A980] =	vst v63  }
0x55: {  	_ =	swait.ge [sflag:s19], $0x1400  }
0x56: {  	[sflag:s19] =	ssyncset.done $0x0  }
0x57: {  	[sflag:s19] =	ssyncadd.s32 $0xFFFFEC00  }
0x58: {  	_ =	swait.ge [sflag:s20], $0x1400  }
0x59: {  	[sflag:s20] =	ssyncset.done $0x0  }
0x5a: {  	[sflag:s20] =	ssyncadd.s32 $0xFFFFEC00  }
0x5b: {  	[spmem:s2] =	stream.indirect.scatter.add.f32 [tilespmem:s16], [sflag:$0x3], $0x80, s22, s21, $0xb8;
	[tilespmem:$0x1A980] =	vst v63  }
0x5c: {  	_ =	swait.ge [sflag:s11], $0x2800  }
0x5d: {  	[sflag:s11] =	ssyncset.done $0x0  }
0x5e: {  	s1 =	sadd.s32 $0x0, s6;
	[sflag:s11] =	ssyncadd.s32 $0xFFFFD800  }
0x5f: {  	v1 =	vor.u32 s1, v0;
	s26 =	sadd.s32 $0x20, s1;
	[bflag:$0x0] =	sbarrier.arrive $0xFFFF  }
0x60: {  	s25 =	sadd.s32 $0x10, s1;
	v2 =	vor.u32 s26, v0;
	[tilespmem:$0x1A900] =	vst v1  }
0x61: {  	s30 =	sadd.s32 $0x40, s1;
	v1 =	vor.u32 s25, v0;
	[tilespmem:$0x1A920] =	vst v2  }
0x62: {  	s28 =	sadd.s32 $0x70, s1;
	v2 =	vor.u32 s30, v0;
	[tilespmem:$0x1A910] =	vst v1  }
0x63: {  	s24 =	sadd.s32 $0x30, s1;
	v1 =	vor.u32 s28, v0;
	[tilespmem:$0x1A940] =	vst v2  }
0x64: {  	s29 =	sadd.s32 $0x50, s1;
	v2 =	vor.u32 s24, v0;
	[tilespmem:$0x1A970] =	vst v1  }
0x65: {  	s31 =	sadd.s32 $0x60, s1;
	v1 =	vor.u32 s29, v0;
	[tilespmem:$0x1A930] =	vst v2  }
0x66: {  	[tilespmem:$0x1A950] =	vst v1;
	v1 =	vor.u32 s31, v0  }
0x67: {  	s26 =	smov.u32 s9;
	s25 =	smov.u32 s9;
	s24 =	simm.s32 $0x80;
	[tilespmem:$0x1A960] =	vst v1  }
0x68: {  	[tilespmem:s10], [sflag:$0x1] =	stream.indirect.gather [spmem:s2], $0x80, s13, s12, $0xb8;
	[tilespmem:$0x1A980] =	vst v63  }
.LBB2_6:
0x69: {  	p0 =	sne.s32 s24, $0x200;
	_ =	swait.ge [sflag:s19], $0x4000;
	s26 =	sadd.s32 $0x800, s26  }
0x6a: {  	s28 =	smov.u32 s24;
	s24 =	sadd.s32 $0x80, s24;
	[sflag:s19] =	ssyncset.done $0x0  }
0x6b: {  	[sflag:s19] =	ssyncadd.s32 $0xFFFFC000  }
0x6c: {  	[hbm4b:s25+s3] =	stream.linear.scatter [tilespmem:s10], [sflag:$0x3], $0x4000, $0x38;
	[tilespmem:$0x1A980] =	vst v63  }
0x6d: {  	s25 =	smov.u32 s26;
	_ =	swait.ge [sflag:s11], $0x4000  }
0x6e: {  	s28 =	sadd.s32 s28, s6;
	[sflag:s11] =	ssyncset.done $0x0  }
0x6f: {  	v1 =	vor.u32 s28, v0;
	s29 =	sadd.s32 $0x10, s28;
	s30 =	sadd.s32 $0x20, s28;
	[sflag:s11] =	ssyncadd.s32 $0xFFFFC000  }
0x70: {  	s31 =	sadd.s32 $0x70, s28;
	v2 =	vor.u32 s30, v0;
	s30 =	sadd.s32 $0x50, s28;
	[tilespmem:$0x1A900] =	vst v1;
	v1 =	vor.u32 s29, v0;
	s29 =	sadd.s32 $0x40, s28  }
0x71: {  	s1 =	sadd.s32 $0x30, s28;
	v4 =	vor.u32 s31, v0;
	v3 =	vor.u32 s30, v0;
	s28 =	sadd.s32 $0x60, s28;
	[tilespmem:$0x1A910] =	vst v1;
	v1 =	vor.u32 s29, v0  }
0x72: {  	v5 =	vor.u32 s1, v0;
	v6 =	vor.u32 s28, v0;
	[tilespmem:$0x1A970] =	vst v4  }
0x73: {  	[tilespmem:$0x1A920] =	vst v2  }
.Ltmp2:
0x74: {  	[tilespmem:$0x1A950] =	vst v3;
	(pc) =	sbr.rel @p0 .LBB2_6-.Ltmp2, $4  }
0x75: {  	[tilespmem:$0x1A940] =	vst v1  }
0x76: {  	[tilespmem:$0x1A960] =	vst v6  }
0x77: {  	[tilespmem:$0x1A930] =	vst v5  }
0x78: {  	[tilespmem:s10], [sflag:$0x1] =	stream.indirect.gather [spmem:s2], $0x80, s13, s12, $0xb8;
	[tilespmem:$0x1A980] =	vst v63  }
0x79: {  	_ =	swait.ge [sflag:s19], $0x4000;
	s23 =	sadd.s32 $0x1, s23  }
0x7a: {  	[sflag:s19] =	ssyncset.done $0x0;
	p0 =	sne.s32 s23, s7  }
.Ltmp3:
0x7b: {  	[sflag:s19] =	ssyncadd.s32 $0xFFFFC000;
	(pc) =	sbr.rel @p0 .LBB2_1-.Ltmp3, $4  }
0x7c: {  	[hbm4b:s25+s3] =	stream.linear.scatter [tilespmem:s10], [sflag:$0x3], $0x4000, $0x38;
	[tilespmem:$0x1A980] =	vst v63  }
0x7d: {  	_ =	swait.ge [sflag:s11], $0x4000  }
0x7e: {  	[sflag:s11] =	ssyncset.done $0x0  }
0x7f: {  	[sflag:s11] =	ssyncadd.s32 $0xFFFFC000  }
0x80: {  	_ =	sfence.sel $0x180000  }
0x81: {  	[bflag:$0x0] =	sbarrier.arrive $0xFFFF  }
0x82: {  	_ =	strace $0x9000004A  }
0x83: {  	[bflag:$0x2] =	sbarrier.arrive $0xFFFF  }
0x84: {  	p0 =	sne.s32 s0, $0x0;
	s0 =	rddreg [dreg:$0x2]  }
0x85: {  	s0 =	sadd.s32 @!p0 $0x100000, s0  }
0x86: {  	[sflag:s0] =	ssyncadd.tile.s32 @!p0 $0x1;
	_ =	shalt  }
.Lfunc_end2:
_tile_overlayer_lowered:
.L_overlay_start_2:
0x87: {  	(tag) =	ssettag $0x2  }
0x88: {  	s0 =	rddreg [dreg:$0x0];
	s2 =	stileid.u32  }
0x89: {  	s1 =	rddreg [dreg:$0x1];
	p0 =	sne.s32 s2, $0x0  }
0x8a: {  	s3 =	rddreg [dreg:$0x2];
	[bflag:$0x3] =	sbarrier.arrive $0xFFFF;
	s2 =	simm.s32 @!p0 $0x1C03  }
0x8b: {  	[timem:s3], [sflag:s2] =	dma.local @!p0 [hbm:s0], s1  }
0x8c: {  	s0 =	simm.s32 @!p0 $0x3  }
0x8d: {  	_ =	swait.ge @!p0 [sflag:s0], s1  }
0x8e: {  	s1 =	ssub.s32 @!p0 $0x0, s1;
	[sflag:s0] =	ssyncset.done @!p0 $0x0  }
0x8f: {  	[sflag:s0] =	ssyncadd.s32 @!p0 s1  }
0x90: {  	[bflag:$0x3] =	sbarrier.arrive $0xFFFF  }
0x91: {  	_ =	shalt  }

// kernel: kernel.17.cloned.1.call-start
scs
__scs_entry_jumppad:
0x0: {  	(pc) =	sbr.rel $0x88, $3  }
0x1: {  	(tag) =	ssettag $0x0;
	lr =	simm.s32 $0x1  }
0x2: {  	[smem:$0x3F96] =	sst lr;
	_ =	strace $0xD0000000  }
0x3: {  	_ = 	snop  }
0x4: {  	_ = 	snop  }
0x5: {  	_ = 	snop  }
0x6: {  	_ = 	snop  }
0x7: {  	_ = 	snop  }
__scs_overlays_trampoline_lowered:
0x8: {  	[smem:$0x3FA5] =	sst s0  }
0x9: {  	[smem:$0x3FA6] =	sst s1  }
0xa: {  	[smem:$0x3FA7] =	sst s2  }
0xb: {  	[smem:$0x3FA8] =	sst s3  }
0xc: {  	[smem:$0x3FA9] =	sst s4  }
0xd: {  	[smem:$0x3FAA] =	sst s5  }
0xe: {  	[smem:$0x3FAB] =	sst s6  }
0xf: {  	[smem:$0x3FAC] =	sst s7  }
0x10: {  	[smem:$0x3FAD] =	sst s8  }
0x11: {  	[smem:$0x3FAE] =	sst s9;
	s0 =	simm.s32 @!p0 $0x0  }
0x12: {  	s1 =	sld [smem:$0x3F94];
	s0 =	simm.s32 @p0 $0x1  }
0x13: {  	[smem:$0x3FAF] =	sst s0;
	s0 =	simm.s32 @!p1 $0x0  }
0x14: {  	s2 =	sld [smem:$0x3F93];
	s0 =	simm.s32 @p1 $0x1  }
0x15: {  	[smem:$0x3FB0] =	sst s0;
	s0 =	simm.s32 @!p2 $0x0  }
0x16: {  	s3 =	sld [smem:$0x3FDB];
	s0 =	simm.s32 @p2 $0x1  }
0x17: {  	s4 =	simm.s32 $0x1BF5;
	[smem:$0x3FB2] =	sst s0  }
0x18: {  	s0 =	sld [smem:$0x3F95];
	_ =	swait.ge [sflag:s4], $0x0  }
0x19: {  	s7 =	sld [smem:$0x3F96]  }
0x1a: {  	s8 =	sadd.s32 $0xFFFFE003, lr  }
0x1b: {  	s9 =	sadd.s32 $0xFFFFFEF7, lr;
	s5 =	simm.s32 $0xFFFFFFFF;
	p2 =	slt.u32 s8, $0xFFFFF086  }
0x1c: {  	p1 =	slt.u32 s9, $0xF7A;
	s5 =	simm.s32 @!p2 $0x0  }
0x1d: {  	s5 =	simm.s32 @p1 $0x1;
	p0 =	seq.s32 s7, s2  }
0x1e: {  	s7 =	smul.u32 @!p0 $0xF7A, s2;
	p2 =	seq.s32 @!p0 s5, $0x0  }
0x1f: {  	s9 =	smul.u32 $0xF7A, s1;
	s8 =	simm.s32 @!p0 $0x1BF5;
	p2 =	por !p2, p0  }
0x20: {  	[sflag:s8] =	ssyncset.s32 @!p0 $0xFFFFF086;
	s6 =	sadd.s32 @!p0 s3, s7;
	s7 =	simm.s32 @!p0 $0x108  }
0x21: {  	s3 =	sadd.s32 s3, s9;
	s6 =	sadd.s32 @!p0 $0x88, s6;
	s7 =	simm.s32 @p2 $0x1082  }
0x22: {  	[simem:s7], [sflag:s8] =	dma.local @!p0 [hbm:s6], $0xF7A  }
0x23: {  	s9 =	sor.u32 $0xD0000000, s2;
	s6 =	simm.s32 $0x108;
	_ =	swait.ge @!p0 [sflag:s8], $0x0  }
0x24: {  	s3 =	sadd.s32 $0x88, s3;
	s6 =	simm.s32 @!p1 $0x1082;
	[sflag:s4] =	ssyncset.s32 $0xFFFFF086  }
0x25: {  	[simem:s6], [sflag:s4] =	dma.local [hbm:s3], $0xF7A  }
0x26: {  	[smem:$0x3F96] =	sst s1;
	(tag) =	ssettag s2;
	_ =	strace s9  }
0x27: {  	s1 =	sld [smem:$0x3FA6]  }
0x28: {  	s2 =	sld [smem:$0x3FA7]  }
0x29: {  	s4 =	sld [smem:$0x3FA9]  }
0x2a: {  	p0 =	seq.s32 s5, $0x0;
	s5 =	sld [smem:$0x3FAA]  }
0x2b: {  	s6 =	sld [smem:$0x3FAB]  }
0x2c: {  	s7 =	sld [smem:$0x3FAC]  }
0x2d: {  	s3 =	simm.s32 $0x108;
	s8 =	sld [smem:$0x3FAD]  }
0x2e: {  	s3 =	simm.s32 @!p0 $0x1082;
	s9 =	sld [smem:$0x3FAE]  }
0x2f: {  	lr =	sadd.s32 s0, s3;
	s0 =	sld [smem:$0x3FA5]  }
0x30: {  	s3 =	sld [smem:$0x3FA8]  }
0x31: {  	[smem:$0x3FB1] =	sst s10  }
0x32: {  	s10 =	sld [smem:$0x3FAF];
	_ =	sdelay $0x3  }
0x33: {  	p0 =	seq.s32 s10, $0x1;
	s10 =	sld [smem:$0x3FB1];
	_ =	sdelay $0x3  }
0x34: {  	[smem:$0x3FB1] =	sst s10  }
0x35: {  	s10 =	sld [smem:$0x3FB0];
	_ =	sdelay $0x3  }
0x36: {  	p1 =	seq.s32 s10, $0x1;
	s10 =	sld [smem:$0x3FB1];
	_ =	sdelay $0x3  }
0x37: {  	[smem:$0x3FB1] =	sst s10  }
0x38: {  	s10 =	sld [smem:$0x3FB2]  }
0x39: {  	_ = 	snop;
	(pc) =	sbr.ind lr, $3  }
0x3a: {  	_ = 	snop  }
0x3b: {  	_ = 	snop  }
0x3c: {  	p2 =	seq.s32 s10, $0x1;
	s10 =	sld [smem:$0x3FB1]  }
0x3d: {  	_ =	shalt  }
0x3e: {  	_ =	shalt  }
0x3f: {  	_ =	shalt  }
0x40: {  	_ =	shalt  }
0x41: {  	_ =	shalt  }
0x42: {  	_ =	shalt  }
0x43: {  	_ =	shalt  }
0x44: {  	_ =	shalt  }
0x45: {  	_ =	shalt  }
0x46: {  	_ =	shalt  }
0x47: {  	_ =	shalt  }
0x48: {  	_ =	shalt  }
0x49: {  	_ =	shalt  }
0x4a: {  	_ =	shalt  }
0x4b: {  	_ =	shalt  }
0x4c: {  	_ =	shalt  }
0x4d: {  	_ =	shalt  }
0x4e: {  	_ =	shalt  }
0x4f: {  	_ =	shalt  }
0x50: {  	_ =	shalt  }
0x51: {  	_ =	shalt  }
0x52: {  	_ =	shalt  }
0x53: {  	_ =	shalt  }
0x54: {  	_ =	shalt  }
0x55: {  	_ =	shalt  }
0x56: {  	_ =	shalt  }
0x57: {  	_ =	shalt  }
0x58: {  	_ =	shalt  }
0x59: {  	_ =	shalt  }
0x5a: {  	_ =	shalt  }
0x5b: {  	_ =	shalt  }
0x5c: {  	_ =	shalt  }
0x5d: {  	_ =	shalt  }
0x5e: {  	_ =	shalt  }
0x5f: {  	_ =	shalt  }
0x60: {  	_ =	shalt  }
0x61: {  	_ =	shalt  }
0x62: {  	_ =	shalt  }
0x63: {  	_ =	shalt  }
0x64: {  	_ =	shalt  }
0x65: {  	_ =	shalt  }
0x66: {  	_ =	shalt  }
0x67: {  	_ =	shalt  }
0x68: {  	_ =	shalt  }
0x69: {  	_ =	shalt  }
0x6a: {  	_ =	shalt  }
0x6b: {  	_ =	shalt  }
0x6c: {  	_ =	shalt  }
0x6d: {  	_ =	shalt  }
0x6e: {  	_ =	shalt  }
0x6f: {  	_ =	shalt  }
0x70: {  	_ =	shalt  }
0x71: {  	_ =	shalt  }
0x72: {  	_ =	shalt  }
0x73: {  	_ =	shalt  }
0x74: {  	_ =	shalt  }
0x75: {  	_ =	shalt  }
0x76: {  	_ =	shalt  }
0x77: {  	_ =	shalt  }
0x78: {  	_ =	shalt  }
0x79: {  	_ =	shalt  }
0x7a: {  	_ =	shalt  }
0x7b: {  	_ =	shalt  }
0x7c: {  	_ =	shalt  }
0x7d: {  	_ =	shalt  }
0x7e: {  	_ =	shalt  }
0x7f: {  	_ =	shalt  }
0x80: {  	_ =	shalt  }
0x81: {  	_ =	shalt  }
0x82: {  	_ =	shalt  }
0x83: {  	_ =	shalt  }
0x84: {  	_ =	shalt  }
0x85: {  	_ =	shalt  }
0x86: {  	_ =	shalt  }
0x87: {  	_ =	shalt  }
.Lfunc_end0:
.L_simem_size_0:
called_computation.2_lowered:
.L_overlay_start_0:
0x88: {  	s2 =	sld [smem:$0x3FD9]  }
0x89: {  	s3 =	sld [smem:$0x3FFE];
	_ =	sdelay $0x1  }
0x8a: {  	s1 =	srdreg.scid  }
0x8b: {  	s0 =	sand.u32 $0x1, s1  }
0x8c: {  	s16 =	sshll.u32 s0, $0xA;
	s2 =	sadd.s32 s3, s2  }
0x8d: {  	s2 =	sadd.s32 s2, s16  }
0x8e: {  	[smem:$0x3FBD] =	sst s2  }
0x8f: {  	_ = 	snop  }
0x90: {  	(tm) =	ssettm $0x1  }
0x91: {  	s17 =	sld [smem:$0x3FFB];
	_ =	sdelay $0x3  }
0x92: {  	_ =	strace s17  }
0x93: {  	s2 =	sld [smem:$0x3FFC];
	_ =	sdelay $0x3  }
0x94: {  	_ =	strace s2  }
0x95: {  	s2 =	sld [smem:$0x3FFD];
	_ =	sdelay $0x3  }
0x96: {  	_ =	strace s2  }
0x97: {  	_ =	strace $0x8FFFFFFF  }
0x98: {  	s18 =	sld [smem:$0x3FDB];
	_ =	sdelay $0x1  }
0x99: {  	s19 =	simm.s32 $_scs_section_size  }
0x9a: {  	s4 =	simm.s32 $_size__tile_overlayer_lowered;
	s5 =	simm.s32 $_tile_overlayer_lowered  }
0x9b: {  	s22 =	simm.s32 $0x1BFF;
	s21 =	sshll.u32 s5, $0x1;
	s2 =	sadd.s32 s19, s18  }
0x9c: {  	s6 =	simm.s32 $0x0;
	s20 =	sshll.u32 s4, $0x1;
	s4 =	sadd.s32 s21, s2  }
0x9d: {  	[timem:s6], [sflag:s22] =	dma.local [hbm:s4], s20  }
0x9e: {  	_ =	swait.ge [sflag:s22], s20  }
0x9f: {  	s3 =	ssub.s32 $0x0, s20;
	[sflag:s22] =	ssyncset.done $0x0  }
0xa0: {  	[sflag:s22] =	ssyncadd.s32 s3;
	_ =	sdelay $0x1  }
0xa1: {  	s23 =	simm.s32 $0x1B8B  }
0xa2: {  	_ =	swait.ge [sflag:s23], $0x1  }
0xa3: {  	[sflag:s23] =	ssyncset.done $0x0  }
0xa4: {  	s25 =	simm.s32 $0x1B8E;
	s24 =	sld [smem:$0x3FFE];
	[sflag:s23] =	ssyncadd.s32 $0xFFFFFFFF  }
0xa5: {  	s26 =	simm.s32 $execute0_lowered;
	[smem:$0x3FD2] =	sst s25  }
0xa6: {  	s4 =	sshll.u32 s26, $0x1;
	_ =	strace $0x8000004C;
	[dreg:$0x1] =	wrdreg $0xFFFFFFFF  }
0xa7: {  	s28 =	simm.s32 $_size_execute0_lowered;
	s2 =	sadd.s32 s2, s4;
	[dreg:$0x0] =	wrdreg $0x0  }
0xa8: {  	s4 =	sshll.u32 s28, $0x1;
	[dreg:$0x2] =	wrdreg s2  }
0xa9: {  	[dreg:$0x3] =	wrdreg s4  }
0xaa: {  	[dreg:$0x4] =	wrdreg $0xC0  }
0xab: {  	_ =	task [dreg:s6], $0x5FFFF  }
0xac: {  	[dreg:$0x1] =	wrdreg $0xFFFFFFFF  }
0xad: {  	[dreg:$0x0] =	wrdreg $0x60  }
0xae: {  	[dreg:$0x2] =	wrdreg s24  }
0xaf: {  	[dreg:$0x3] =	wrdreg $0x0  }
0xb0: {  	[dreg:$0x4] =	wrdreg $0x9  }
0xb1: {  	_ =	task.clear_ibuf [dreg:s6], $0x5FFFF;
	_ =	strace $0x9000004C  }
0xb2: {  	s29 =	simm.s32 $0x9;
	_ =	strace $0x8000004E  }
0xb3: {  	_ =	swait.ge [sflag:s29], $0x1  }
0xb4: {  	[sflag:s29] =	ssyncadd.s32 $0xFFFFFFFF  }
0xb5: {  	_ =	strace $0x9000004E  }
0xb6: {  	_ =	sfence  }
0xb7: {  	s30 =	sld [smem:$0x0];
	_ =	sdelay $0x2  }
0xb8: {  	s31 =	sshll.u32 s1, $0xD;
	s1 =	sshrl.u32 s1, $0x2  }
0xb9: {  	s3 =	sand.u32 $0x4000, s31;
	s1 =	sadd.s32 s1, s30  }
0xba: {  	s0 =	sor.u32 s3, s0;
	s1 =	sshll.u32 s1, $0x11  }
0xbb: {  	s0 =	sor.u32 s1, s0  }
0xbc: {  	s0 =	sadd.s32 $0x8F2B, s0  }
0xbd: {  	[sflag:s0] =	ssyncadd.remote.s32 $0x1  }
0xbe: {  	_ =	sfence.sel $0xFFFF  }
0xbf: {  	[dreg:$0x0] =	wrdreg $0xFFFFFFFF;
	(pc) =	sbr.abs _section_cstart, $3  }
0xc0: {  	[dreg:$0x1] =	wrdreg $0xFFFFFFFF  }
0xc1: {  	_ =	task.clear_ibuf [dreg:s6], $0x2FFFF;
	_ =	strace $0x9FFFFFFF  }
0xc2: {  	(tm) =	ssettm $0x7FFFFFFF  }
0xc3: {  	_ =	shalt  }
tec
execute0_lowered:
.L_overlay_start_1:
0x0: {  	(tag) =	ssettag $0x1  }
0x1: {  	s6 =	rddreg [dreg:$0x0];
	s0 =	stileid.u32  }
0x2: {  	s1 =	srdreg.scid;
	s2 =	rddreg [dreg:$0x1]  }
0x3: {  	s3 =	simm.s32 $0x0;
	s13 =	simm.s32 $0x1A900;
	s14 =	simm.s32 $0x14000  }
0x4: {  	s15 =	simm.s32 $0x28;
	s16 =	simm.s32 $0x14100;
	s17 =	simm.s32 $0x14028  }
0x5: {  	s18 =	simm.s32 $0x15500;
	s19 =	simm.s32 $0x1;
	s20 =	simm.s32 $0x2  }
0x6: {  	s21 =	simm.s32 $0x50;
	s22 =	simm.s32 $0x14080;
	s5 =	smul.u32 $0x1F40, s0  }
0x7: {  	s23 =	simm.s32 $0x0;
	s7 =	sand.u32 $0x1, s1;
	s9 =	smul.u32 $0x14000, s0  }
0x8: {  	[smem:$0x7FF] =	sst s3;
	s4 =	sadd.s32 $0x22200, s6;
	s8 =	smul.u32 $0x140000, s7  }
0x9: {  	_ =	strace $0x8000004D;
	s29 =	ssub.s32 $0x2, s7;
	s7 =	smul.u32 $0xFA0, s7  }
0xa: {  	s10 =	sadd.s32 s5, s6;
	s5 =	sadd.s32 $0x49400, s6;
	s11 =	sshrl.u32 s29, $0x1  }
0xb: {  	s8 =	sadd.s32 s9, s8;
	s30 =	ssub.s32 s29, s11;
	s31 =	sadd.s32 s7, s10  }
0xc: {  	s10 =	simm.s32 $0x16900;
	s11 =	simm.s32 $0x3;
	s8 =	sshrl.u32 s8, $0x3  }
0xd: {  	s7 =	smax.u32 s30, $0x1;
	s12 =	sadd.s32 s8, s6;
	s6 =	smul.u32 $0x280, s0  }
0xe: {  	v0 =	vlaneseq.u32;
	s8 =	sadd.s32 $0x2E00, s31;
	s9 =	sadd.s32 $0x49C00, s12;
	s12 =	simm.s32 $0x80  }
.LBB2_1:
0xf: {  	[tilespmem:s10], [sflag:$0x3] =	stream.linear.gather [hbm4b:s5+s3], $0x4000, $0x38;
	[tilespmem:$0x1A980] =	vst v63  }
0x10: {  	_ =	swait.ge [sflag:s11], $0x4000  }
0x11: {  	s24 =	sadd.s32 $0x0, s6;
	[sflag:s11] =	ssyncset.done $0x0  }
0x12: {  	v1 =	vor.u32 s24, v0;
	s26 =	sadd.s32 $0x60, s24;
	[sflag:s11] =	ssyncadd.s32 $0xFFFFC000  }
0x13: {  	s30 =	sadd.s32 $0x30, s24;
	v2 =	vor.u32 s26, v0;
	[tilespmem:$0x1A900] =	vst v1  }
0x14: {  	s25 =	sadd.s32 $0x70, s24;
	v3 =	vor.u32 s30, v0;
	[tilespmem:$0x1A960] =	vst v2  }
0x15: {  	s29 =	sadd.s32 $0x40, s24;
	v1 =	vor.u32 s25, v0;
	[tilespmem:$0x1A930] =	vst v3  }
0x16: {  	s28 =	sadd.s32 $0x50, s24;
	v2 =	vor.u32 s29, v0;
	[tilespmem:$0x1A970] =	vst v1  }
0x17: {  	s31 =	sadd.s32 $0x20, s24;
	v1 =	vor.u32 s28, v0;
	[tilespmem:$0x1A940] =	vst v2  }
0x18: {  	s25 =	sadd.s32 $0x10, s24;
	s24 =	simm.s32 $0x80;
	[tilespmem:$0x1A950] =	vst v1;
	v1 =	vor.u32 s31, v0  }
.LBB2_2:
0x19: {  	p0 =	sne.s32 s24, $0x200;
	v2 =	vor.u32 s25, v0;
	[tilespmem:$0x1A920] =	vst v1  }
0x1a: {  	[tilespmem:$0x1A910] =	vst v2;
	[spmem:s2] =	stream.indirect.scatter [tilespmem:s10], [sflag:$0x3], $0x80, s13, s12, $0xb8  }
0x1b: {  	_ =	swait.ge [sflag:s11], $0x4000  }
0x1c: {  	s25 =	sadd.s32 s24, s6;
	[sflag:s11] =	ssyncset.done $0x0  }
0x1d: {  	v1 =	vor.u32 s25, v0;
	s26 =	sadd.s32 $0x70, s25;
	[sflag:s11] =	ssyncadd.s32 $0xFFFFC000  }
0x1e: {  	s28 =	sadd.s32 $0x60, s25;
	[tilespmem:$0x1A900] =	vst v1;
	v1 =	vor.u32 s26, v0  }
.Ltmp0:
0x1f: {  	v2 =	vor.u32 s28, v0;
	s26 =	sadd.s32 $0x50, s25;
	[tilespmem:$0x1A970] =	vst v1;
	(pc) =	sbr.rel @p0 .LBB2_2-.Ltmp0, $4  }
0x20: {  	s28 =	sadd.s32 $0x40, s25;
	v1 =	vor.u32 s26, v0;
	[tilespmem:$0x1A960] =	vst v2  }
0x21: {  	s26 =	sadd.s32 $0x30, s25;
	v2 =	vor.u32 s28, v0;
	[tilespmem:$0x1A950] =	vst v1  }
0x22: {  	s28 =	sadd.s32 $0x20, s25;
	v3 =	vor.u32 s26, v0;
	[tilespmem:$0x1A940] =	vst v2  }
0x23: {  	s24 =	sadd.s32 $0x80, s24;
	s25 =	sadd.s32 $0x10, s25;
	v1 =	vor.u32 s28, v0;
	[tilespmem:$0x1A930] =	vst v3  }
0x24: {  	v2 =	vor.u32 s25, v0;
	[tilespmem:$0x1A920] =	vst v1  }
0x25: {  	[tilespmem:$0x1A910] =	vst v2  }
0x26: {  	[spmem:s2] =	stream.indirect.scatter [tilespmem:s10], [sflag:$0x3], $0x80, s13, s12, $0xb8;
	[tilespmem:$0x1A980] =	vst v63  }
0x27: {  	_ =	swait.ge [sflag:s11], $0x4000  }
0x28: {  	[sflag:s11] =	ssyncset.done $0x0  }
0x29: {  	[sflag:s11] =	ssyncadd.s32 $0xFFFFC000  }
0x2a: {  	s24 =	sadd.s32 $0x0, s8;
	[bflag:$0x0] =	sbarrier.arrive $0xFFFF  }
0x2b: {  	[tilespmem:s14], [sflag:$0x3] =	stream.linear.gather [hbm4b:s24+s3], $0x100, $0x38;
	[tilespmem:$0x1A980] =	vst v63  }
0x2c: {  	_ =	swait.ge [sflag:s11], $0x100  }
0x2d: {  	[sflag:s11] =	ssyncset.done $0x0  }
0x2e: {  	[sflag:s11] =	ssyncadd.s32 $0xFFFFFF00  }
0x2f: {  	[tilespmem:s16], [sflag:$0x1] =	stream.indirect.gather [hbm4b:s4+s15], $0x80, s14, s15, $0xb8;
	[tilespmem:$0x1A980] =	vst v63  }
0x30: {  	_ = 	snop  }
0x31: {  	[tilespmem:s18], [sflag:$0x2] =	stream.indirect.gather [hbm4b:s4+s15], $0x80, s17, s15, $0xb8;
	[tilespmem:$0x1A980] =	vst v63  }
0x32: {  	_ =	swait.ge [sflag:s19], $0x1400  }
0x33: {  	[sflag:s19] =	ssyncset.done $0x0  }
0x34: {  	[sflag:s19] =	ssyncadd.s32 $0xFFFFEC00  }
0x35: {  	_ =	swait.ge [sflag:s20], $0x1400  }
0x36: {  	[sflag:s20] =	ssyncset.done $0x0  }
0x37: {  	[sflag:s20] =	ssyncadd.s32 $0xFFFFEC00  }
0x38: {  	[spmem:s2] =	stream.indirect.scatter.add.f32 [tilespmem:s16], [sflag:$0x3], $0x80, s22, s21, $0xb8;
	[tilespmem:$0x1A980] =	vst v63  }
0x39: {  	_ =	swait.ge [sflag:s11], $0x2800  }
0x3a: {  	s25 =	simm.s32 $0x40;
	s24 =	simm.s32 $0x20;
	[sflag:s11] =	ssyncset.done $0x0  }
.LBB2_4:
0x3b: {  	s26 =	sadd.s32 s24, s8  }
0x3c: {  	[sflag:s11] =	ssyncadd.s32 $0xFFFFD800;
	s24 =	smov.u32 s25;
	s28 =	sadd.s32 $0x20, s25  }
0x3d: {  	[tilespmem:s14], [sflag:$0x3] =	stream.linear.gather [hbm4b:s26+s3], $0x100, $0x38;
	[tilespmem:$0x1A980] =	vst v63  }
0x3e: {  	p0 =	sne.s32 s25, $0xF80;
	_ =	swait.ge [sflag:s11], $0x100  }
0x3f: {  	[sflag:s11] =	ssyncset.done $0x0  }
0x40: {  	[sflag:s11] =	ssyncadd.s32 $0xFFFFFF00  }
0x41: {  	[tilespmem:s16], [sflag:$0x1] =	stream.indirect.gather [hbm4b:s4+s15], $0x80, s14, s15, $0xb8;
	[tilespmem:$0x1A980] =	vst v63  }
0x42: {  	_ = 	snop  }
0x43: {  	[tilespmem:s18], [sflag:$0x2] =	stream.indirect.gather [hbm4b:s4+s15], $0x80, s17, s15, $0xb8;
	[tilespmem:$0x1A980] =	vst v63  }
0x44: {  	_ =	swait.ge [sflag:s19], $0x1400  }
0x45: {  	[sflag:s19] =	ssyncset.done $0x0  }
0x46: {  	[sflag:s19] =	ssyncadd.s32 $0xFFFFEC00  }
0x47: {  	_ =	swait.ge [sflag:s20], $0x1400  }
.Ltmp1:
0x48: {  	[sflag:s20] =	ssyncset.done $0x0;
	(pc) =	sbr.rel @p0 .LBB2_4-.Ltmp1, $4  }
0x49: {  	[sflag:s20] =	ssyncadd.s32 $0xFFFFEC00  }
0x4a: {  	[spmem:s2] =	stream.indirect.scatter.add.f32 [tilespmem:s16], [sflag:$0x3], $0x80, s22, s21, $0xb8;
	[tilespmem:$0x1A980] =	vst v63  }
0x4b: {  	_ =	swait.ge [sflag:s11], $0x2800  }
0x4c: {  	s25 =	smov.u32 s28;
	[sflag:s11] =	ssyncset.done $0x0  }
0x4d: {  	s24 =	sadd.s32 s24, s8;
	[sflag:s11] =	ssyncadd.s32 $0xFFFFD800  }
0x4e: {  	[tilespmem:s14], [sflag:$0x3] =	stream.linear.gather [hbm4b:s24+s3], $0x100, $0x38;
	[tilespmem:$0x1A980] =	vst v63  }
0x4f: {  	_ =	swait.ge [sflag:s11], $0x100  }
0x50: {  	[sflag:s11] =	ssyncset.done $0x0  }
0x51: {  	[sflag:s11] =	ssyncadd.s32 $0xFFFFFF00  }
0x52: {  	[tilespmem:s16], [sflag:$0x1] =	stream.indirect.gather [hbm4b:s4+s15], $0x80, s14, s15, $0xb8;
	[tilespmem:$0x1A980] =	vst v63  }
0x53: {  	_ = 	snop  }
0x54: {  	[tilespmem:s18], [sflag:$0x2] =	stream.indirect.gather [hbm4b:s4+s15], $0x80, s17, s15, $0xb8;
	[tilespmem:$0x1A980] =	vst v63  }
0x55: {  	_ =	swait.ge [sflag:s19], $0x1400  }
0x56: {  	[sflag:s19] =	ssyncset.done $0x0  }
0x57: {  	[sflag:s19] =	ssyncadd.s32 $0xFFFFEC00  }
0x58: {  	_ =	swait.ge [sflag:s20], $0x1400  }
0x59: {  	[sflag:s20] =	ssyncset.done $0x0  }
0x5a: {  	[sflag:s20] =	ssyncadd.s32 $0xFFFFEC00  }
0x5b: {  	[spmem:s2] =	stream.indirect.scatter.add.f32 [tilespmem:s16], [sflag:$0x3], $0x80, s22, s21, $0xb8;
	[tilespmem:$0x1A980] =	vst v63  }
0x5c: {  	_ =	swait.ge [sflag:s11], $0x2800  }
0x5d: {  	[sflag:s11] =	ssyncset.done $0x0  }
0x5e: {  	s1 =	sadd.s32 $0x0, s6;
	[sflag:s11] =	ssyncadd.s32 $0xFFFFD800  }
0x5f: {  	v1 =	vor.u32 s1, v0;
	s26 =	sadd.s32 $0x20, s1;
	[bflag:$0x0] =	sbarrier.arrive $0xFFFF  }
0x60: {  	s25 =	sadd.s32 $0x10, s1;
	v2 =	vor.u32 s26, v0;
	[tilespmem:$0x1A900] =	vst v1  }
0x61: {  	s30 =	sadd.s32 $0x40, s1;
	v1 =	vor.u32 s25, v0;
	[tilespmem:$0x1A920] =	vst v2  }
0x62: {  	s28 =	sadd.s32 $0x70, s1;
	v2 =	vor.u32 s30, v0;
	[tilespmem:$0x1A910] =	vst v1  }
0x63: {  	s24 =	sadd.s32 $0x30, s1;
	v1 =	vor.u32 s28, v0;
	[tilespmem:$0x1A940] =	vst v2  }
0x64: {  	s29 =	sadd.s32 $0x50, s1;
	v2 =	vor.u32 s24, v0;
	[tilespmem:$0x1A970] =	vst v1  }
0x65: {  	s31 =	sadd.s32 $0x60, s1;
	v1 =	vor.u32 s29, v0;
	[tilespmem:$0x1A930] =	vst v2  }
0x66: {  	[tilespmem:$0x1A950] =	vst v1;
	v1 =	vor.u32 s31, v0  }
0x67: {  	s26 =	smov.u32 s9;
	s25 =	smov.u32 s9;
	s24 =	simm.s32 $0x80;
	[tilespmem:$0x1A960] =	vst v1  }
0x68: {  	[tilespmem:s10], [sflag:$0x1] =	stream.indirect.gather [spmem:s2], $0x80, s13, s12, $0xb8;
	[tilespmem:$0x1A980] =	vst v63  }
.LBB2_6:
0x69: {  	p0 =	sne.s32 s24, $0x200;
	_ =	swait.ge [sflag:s19], $0x4000;
	s26 =	sadd.s32 $0x800, s26  }
0x6a: {  	s28 =	smov.u32 s24;
	s24 =	sadd.s32 $0x80, s24;
	[sflag:s19] =	ssyncset.done $0x0  }
0x6b: {  	[sflag:s19] =	ssyncadd.s32 $0xFFFFC000  }
0x6c: {  	[hbm4b:s25+s3] =	stream.linear.scatter [tilespmem:s10], [sflag:$0x3], $0x4000, $0x38;
	[tilespmem:$0x1A980] =	vst v63  }
0x6d: {  	s25 =	smov.u32 s26;
	_ =	swait.ge [sflag:s11], $0x4000  }
0x6e: {  	s28 =	sadd.s32 s28, s6;
	[sflag:s11] =	ssyncset.done $0x0  }
0x6f: {  	v1 =	vor.u32 s28, v0;
	s29 =	sadd.s32 $0x10, s28;
	s30 =	sadd.s32 $0x20, s28;
	[sflag:s11] =	ssyncadd.s32 $0xFFFFC000  }
0x70: {  	s31 =	sadd.s32 $0x70, s28;
	v2 =	vor.u32 s30, v0;
	s30 =	sadd.s32 $0x50, s28;
	[tilespmem:$0x1A900] =	vst v1;
	v1 =	vor.u32 s29, v0;
	s29 =	sadd.s32 $0x40, s28  }
0x71: {  	s1 =	sadd.s32 $0x30, s28;
	v4 =	vor.u32 s31, v0;
	v3 =	vor.u32 s30, v0;
	s28 =	sadd.s32 $0x60, s28;
	[tilespmem:$0x1A910] =	vst v1;
	v1 =	vor.u32 s29, v0  }
0x72: {  	v5 =	vor.u32 s1, v0;
	v6 =	vor.u32 s28, v0;
	[tilespmem:$0x1A970] =	vst v4  }
0x73: {  	[tilespmem:$0x1A920] =	vst v2  }
.Ltmp2:
0x74: {  	[tilespmem:$0x1A950] =	vst v3;
	(pc) =	sbr.rel @p0 .LBB2_6-.Ltmp2, $4  }
0x75: {  	[tilespmem:$0x1A940] =	vst v1  }
0x76: {  	[tilespmem:$0x1A960] =	vst v6  }
0x77: {  	[tilespmem:$0x1A930] =	vst v5  }
0x78: {  	[tilespmem:s10], [sflag:$0x1] =	stream.indirect.gather [spmem:s2], $0x80, s13, s12, $0xb8;
	[tilespmem:$0x1A980] =	vst v63  }
0x79: {  	_ =	swait.ge [sflag:s19], $0x4000;
	s23 =	sadd.s32 $0x1, s23  }
0x7a: {  	[sflag:s19] =	ssyncset.done $0x0;
	p0 =	sne.s32 s23, s7  }
.Ltmp3:
0x7b: {  	[sflag:s19] =	ssyncadd.s32 $0xFFFFC000;
	(pc) =	sbr.rel @p0 .LBB2_1-.Ltmp3, $4  }
0x7c: {  	[hbm4b:s25+s3] =	stream.linear.scatter [tilespmem:s10], [sflag:$0x3], $0x4000, $0x38;
	[tilespmem:$0x1A980] =	vst v63  }
0x7d: {  	_ =	swait.ge [sflag:s11], $0x4000  }
0x7e: {  	[sflag:s11] =	ssyncset.done $0x0  }
0x7f: {  	[sflag:s11] =	ssyncadd.s32 $0xFFFFC000  }
0x80: {  	_ =	sfence.sel $0x180000  }
0x81: {  	[bflag:$0x0] =	sbarrier.arrive $0xFFFF  }
0x82: {  	_ =	strace $0x9000004D  }
0x83: {  	[bflag:$0x2] =	sbarrier.arrive $0xFFFF  }
0x84: {  	p0 =	sne.s32 s0, $0x0;
	s0 =	rddreg [dreg:$0x2]  }
0x85: {  	s0 =	sadd.s32 @!p0 $0x100000, s0  }
0x86: {  	[sflag:s0] =	ssyncadd.tile.s32 @!p0 $0x1;
	_ =	shalt  }
.Lfunc_end2:
_tile_overlayer_lowered:
.L_overlay_start_2:
0x87: {  	(tag) =	ssettag $0x2  }
0x88: {  	s0 =	rddreg [dreg:$0x0];
	s2 =	stileid.u32  }
0x89: {  	s1 =	rddreg [dreg:$0x1];
	p0 =	sne.s32 s2, $0x0  }
0x8a: {  	s3 =	rddreg [dreg:$0x2];
	[bflag:$0x3] =	sbarrier.arrive $0xFFFF;
	s2 =	simm.s32 @!p0 $0x1C03  }
0x8b: {  	[timem:s3], [sflag:s2] =	dma.local @!p0 [hbm:s0], s1  }
0x8c: {  	s0 =	simm.s32 @!p0 $0x3  }
0x8d: {  	_ =	swait.ge @!p0 [sflag:s0], s1  }
0x8e: {  	s1 =	ssub.s32 @!p0 $0x0, s1;
	[sflag:s0] =	ssyncset.done @!p0 $0x0  }
0x8f: {  	[sflag:s0] =	ssyncadd.s32 @!p0 s1  }
0x90: {  	[bflag:$0x3] =	sbarrier.arrive $0xFFFF  }
0x91: {  	_ =	shalt  }

</sc_bundles>
